<compile_context>
chip_gen: v7x
topology: tpu7x:2x2x1
jax: 0.10.2.dev20260603
libtpu: 0.0.44.dev20260713+nightly
codegen_flags: <defaults>
</compile_context>

<pallas_src>
import functools

import jax
import jax.numpy as jnp
from jax import lax
from jax.experimental import pallas as pl
from jax.experimental.pallas import tpu as pltpu
from jax.experimental.pallas import tpu_sc as plsc

NUM_EMB = 1000000
D = 32
NC, NS = 2, 16
NW = NC * NS
B = 16384 * 50
BPW = B // NW
CHUNK = 512
NCHUNK = BPW // CHUNK
NBUF = 5

_mesh = plsc.VectorSubcoreMesh(
    core_axis_name="c", subcore_axis_name="s", num_cores=NC, num_subcores=NS
)


@functools.partial(
    pl.kernel,
    out_type=jax.ShapeDtypeStruct((B, D), jnp.float32),
    mesh=_mesh,
    scratch_types=[
        pltpu.VMEM((NCHUNK, CHUNK), jnp.int32),
        pltpu.VMEM((NBUF, CHUNK, D), jnp.float32),
        pltpu.SemaphoreType.DMA((NBUF,)),
        pltpu.SemaphoreType.DMA((NBUF,)),
    ],
    compiler_params=pltpu.CompilerParams(use_tc_tiling_on_sc=False),
)
def _gather(idx_hbm, table_hbm, out_hbm, idx_v, rows_v, gsem, osem):
    wid = lax.axis_index("s") * NC + lax.axis_index("c")
    pltpu.sync_copy(idx_hbm.at[:, wid], idx_v)

    def gather_start(jj, b):
        pltpu.async_copy(table_hbm.at[idx_v.at[jj]], rows_v.at[b], gsem.at[b])

    def gather_wait(jj, b):
        pltpu.make_async_copy(
            table_hbm.at[idx_v.at[jj]], rows_v.at[b], gsem.at[b]
        ).wait()

    def out_start(jj, b):
        pltpu.async_copy(
            rows_v.at[b],
            out_hbm.at[pl.ds(jj * NW * CHUNK + wid * CHUNK, CHUNK)],
            osem.at[b],
        )

    def out_wait(jj, b):
        pltpu.make_async_copy(
            rows_v.at[b],
            out_hbm.at[pl.ds(jj * NW * CHUNK + wid * CHUNK, CHUNK)],
            osem.at[b],
        ).wait()

    for b in range(NBUF - 1):
        gather_start(b, b)

    @pl.loop(0, NCHUNK, step=NBUF)
    def _group(j):
        for b in range(NBUF):
            jj = j + b
            bn = (b + NBUF - 1) % NBUF
            jn = jj + NBUF - 1

            @pl.when(jn < NCHUNK)
            def _():
                @pl.when(jn >= NBUF)
                def _():
                    out_wait(jn - NBUF, bn)
                gather_start(jn, bn)

            gather_wait(jj, b)
            out_start(jj, b)

    for b in range(NBUF):
        out_wait(NCHUNK - NBUF + b, (NCHUNK - NBUF + b) % NBUF)


def kernel(x, embed_table):
    idx = x.T.astype(jnp.int32).reshape(NCHUNK, NW, CHUNK)
    out = _gather(idx, embed_table)
    s, b = x.shape[1], x.shape[0]
    return out.reshape(s, b, D).transpose(1, 0, 2)

# --- scband reference (transcript-rebuilt; emitter-appended) ---
"""Pipeline reference for scband-embedding-45999099740575 (READ-ONLY COPY).

The authoritative reference and input builder live on the scoring server;
editing this copy changes nothing except your own understanding.
"""

import jax, jax.numpy as jnp
import numpy as np

NUM_EMBEDDINGS = 1000000
EMBEDDING_DIM = 32


def setup_inputs(seed: int = 0) -> dict:
    key = jax.random.key(seed)
    k_idx, k_tab = jax.random.split(key)
    x = jax.random.randint(k_idx, (16384, 50), 0, NUM_EMBEDDINGS, dtype=jnp.int64)
    # trunc_normal_(std=1, a=-3, b=3) approximated via truncated_normal
    embed_table = jax.random.truncated_normal(
        k_tab, -3.0, 3.0, (NUM_EMBEDDINGS, EMBEDDING_DIM), dtype=jnp.float32
    )
    return {"x": x, "embed_table": embed_table}


def reference(x, embed_table):
    # Faithful translation of: return self.embed_table[x]
    return jnp.take(embed_table, x, axis=0)

if __name__ == "__main__":
    import jax
    _d = setup_inputs()
    print(jax.jit(kernel)(*tuple(_d.values())))

</pallas_src>

<mosaic_0001>
#map = affine_map<(d0, d1) -> (0, 0, 0)>
#map1 = affine_map<(d0, d1) -> (0, 0)>
module attributes {stable_mosaic.version = 14 : i64} {
  func.func @_gather(%arg0: i32, %arg1: i32, %arg2: memref<50x32x512xi32, #tpu.memory_space<hbm>>, %arg3: memref<1000000x32xf32, #tpu.memory_space<hbm>>, %arg4: memref<819200x32xf32, #tpu.memory_space<hbm>>, %arg5: memref<50x512xi32, #tpu.memory_space<vmem>>, %arg6: memref<5x512x32xf32, #tpu.memory_space<vmem>>, %arg7: memref<5x!tpu.dma_semaphore, #tpu.memory_space<semaphore_mem>>, %arg8: memref<5x!tpu.dma_semaphore, #tpu.memory_space<semaphore_mem>>) attributes {dimension_semantics = [#tpu.dimension_semantics<core_parallel>, #tpu.dimension_semantics<subcore_parallel>], iteration_bounds = array<i64: 2, 16>, scalar_prefetch = 0 : i64, scratch_operands = 4 : i64, tpu.core_type = #tpu.core_type<sc_vector_subcore>, window_params = [{transform_indices = #map}, {transform_indices = #map1}, {transform_indices = #map1}]} {
    %mul3A = arith.constant 2 : i32
    %mul3A_0 = arith.muli %arg1, %mul3A : i32
    %add3A = arith.addi %mul3A_0, %arg0 : i32
    "tpu.region"() ({
      %run_scoped3A = tpu.sem_alloc : memref<!tpu.dma_semaphore, #tpu.memory_space<semaphore_mem>>
      %dma_start3A_163 = arith.constant 0 : i32
      %dma_start3A_164 = arith.constant 0 : i32
      %dma_start3A_165 = tpu.memref_slice %arg2[%dma_start3A_163, %add3A, %dma_start3A_164] : memref<50x32x512xi32, #tpu.memory_space<hbm>> -> memref<50x1x512xi32, #tpu.memory_space<hbm>>
      %dma_start3A_166 = tpu.memref_squeeze %dma_start3A_165 : memref<50x1x512xi32, #tpu.memory_space<hbm>> -> memref<50x512xi32, #tpu.memory_space<hbm>>
      %dma_start3A_167 = arith.constant 0 : i32
      %dma_start3A_168 = arith.constant 0 : i32
      %dma_start3A_169 = tpu.memref_slice %arg2[%dma_start3A_167, %add3A, %dma_start3A_168] : memref<50x32x512xi32, #tpu.memory_space<hbm>> -> memref<50x1x512xi32, #tpu.memory_space<hbm>>
      %dma_start3A_170 = tpu.memref_squeeze %dma_start3A_169 : memref<50x1x512xi32, #tpu.memory_space<hbm>> -> memref<50x512xi32, #tpu.memory_space<hbm>>
      tpu.enqueue_dma source(%dma_start3A_170 : memref<50x512xi32, #tpu.memory_space<hbm>>) target(%arg5 : memref<50x512xi32, #tpu.memory_space<vmem>>) target_semaphore(%run_scoped3A : memref<!tpu.dma_semaphore, #tpu.memory_space<semaphore_mem>>)
      %dma_wait3A_171 = arith.constant 0 : i32
      %dma_wait3A_172 = arith.constant 0 : i32
      %dma_wait3A_173 = tpu.memref_slice %arg2[%dma_wait3A_171, %add3A, %dma_wait3A_172] : memref<50x32x512xi32, #tpu.memory_space<hbm>> -> memref<50x1x512xi32, #tpu.memory_space<hbm>>
      %dma_wait3A_174 = tpu.memref_squeeze %dma_wait3A_173 : memref<50x1x512xi32, #tpu.memory_space<hbm>> -> memref<50x512xi32, #tpu.memory_space<hbm>>
      %dma_wait3A_175 = arith.constant 0 : i32
      %dma_wait3A_176 = arith.constant 0 : i32
      %dma_wait3A_177 = tpu.memref_slice %arg2[%dma_wait3A_175, %add3A, %dma_wait3A_176] : memref<50x32x512xi32, #tpu.memory_space<hbm>> -> memref<50x1x512xi32, #tpu.memory_space<hbm>>
      %dma_wait3A_178 = tpu.memref_squeeze %dma_wait3A_177 : memref<50x1x512xi32, #tpu.memory_space<hbm>> -> memref<50x512xi32, #tpu.memory_space<hbm>>
      tpu.wait_dma2 semaphore(%run_scoped3A : memref<!tpu.dma_semaphore, #tpu.memory_space<semaphore_mem>>) src(%dma_wait3A_178 : memref<50x512xi32, #tpu.memory_space<hbm>>) dst(%arg5 : memref<50x512xi32, #tpu.memory_space<vmem>>)
      tpu.yield
    }) : () -> ()
    %dma_start3A = arith.constant 0 : i32
    %dma_start3A_1 = arith.constant 0 : i32
    %dma_start3A_2 = arith.constant 0 : i32
    %dma_start3A_3 = arith.constant 0 : i32
    %dma_start3A_4 = arith.constant 0 : i32
    %dma_start3A_5 = tpu.memref_slice %arg6[%dma_start3A_1, %dma_start3A_3, %dma_start3A_4] : memref<5x512x32xf32, #tpu.memory_space<vmem>> -> memref<1x512x32xf32, #tpu.memory_space<vmem>>
    %dma_start3A_6 = tpu.memref_squeeze %dma_start3A_5 : memref<1x512x32xf32, #tpu.memory_space<vmem>> -> memref<512x32xf32, #tpu.memory_space<vmem>>
    %dma_start3A_7 = arith.constant 0 : i32
    %dma_start3A_8 = tpu.memref_slice %arg5[%dma_start3A, %dma_start3A_7] : memref<50x512xi32, #tpu.memory_space<vmem>> -> memref<1x512xi32, #tpu.memory_space<vmem>>
    %dma_start3A_9 = tpu.memref_squeeze %dma_start3A_8 : memref<1x512xi32, #tpu.memory_space<vmem>> -> memref<512xi32, #tpu.memory_space<vmem>>
    %dma_start3A_10 = arith.constant 0 : i32
    %dma_start3A_11 = arith.constant 0 : i32
    %dma_start3A_12 = tpu.memref_slice %arg3[%dma_start3A_10, %dma_start3A_11] : memref<1000000x32xf32, #tpu.memory_space<hbm>> -> memref<1000000x32xf32, #tpu.memory_space<hbm>>
    %dma_start3A_13 = tpu.memref_slice %arg7[%dma_start3A_2] : memref<5x!tpu.dma_semaphore, #tpu.memory_space<semaphore_mem>> -> memref<1x!tpu.dma_semaphore, #tpu.memory_space<semaphore_mem>>
    %dma_start3A_14 = tpu.memref_squeeze %dma_start3A_13 : memref<1x!tpu.dma_semaphore, #tpu.memory_space<semaphore_mem>> -> memref<!tpu.dma_semaphore, #tpu.memory_space<semaphore_mem>>
    tpu.enqueue_indirect_dma source(%dma_start3A_12 : memref<1000000x32xf32, #tpu.memory_space<hbm>>) target(%dma_start3A_6 : memref<512x32xf32, #tpu.memory_space<vmem>>) offsets(%dma_start3A_9 : memref<512xi32, #tpu.memory_space<vmem>>) semaphore(%dma_start3A_14 : memref<!tpu.dma_semaphore, #tpu.memory_space<semaphore_mem>>)
    %dma_start3A_15 = arith.constant 1 : i32
    %dma_start3A_16 = arith.constant 1 : i32
    %dma_start3A_17 = arith.constant 1 : i32
    %dma_start3A_18 = arith.constant 0 : i32
    %dma_start3A_19 = arith.constant 0 : i32
    %dma_start3A_20 = tpu.memref_slice %arg6[%dma_start3A_16, %dma_start3A_18, %dma_start3A_19] : memref<5x512x32xf32, #tpu.memory_space<vmem>> -> memref<1x512x32xf32, #tpu.memory_space<vmem>>
    %dma_start3A_21 = tpu.memref_squeeze %dma_start3A_20 : memref<1x512x32xf32, #tpu.memory_space<vmem>> -> memref<512x32xf32, #tpu.memory_space<vmem>>
    %dma_start3A_22 = arith.constant 0 : i32
    %dma_start3A_23 = tpu.memref_slice %arg5[%dma_start3A_15, %dma_start3A_22] : memref<50x512xi32, #tpu.memory_space<vmem>> -> memref<1x512xi32, #tpu.memory_space<vmem>>
    %dma_start3A_24 = tpu.memref_squeeze %dma_start3A_23 : memref<1x512xi32, #tpu.memory_space<vmem>> -> memref<512xi32, #tpu.memory_space<vmem>>
    %dma_start3A_25 = arith.constant 0 : i32
    %dma_start3A_26 = arith.constant 0 : i32
    %dma_start3A_27 = tpu.memref_slice %arg3[%dma_start3A_25, %dma_start3A_26] : memref<1000000x32xf32, #tpu.memory_space<hbm>> -> memref<1000000x32xf32, #tpu.memory_space<hbm>>
    %dma_start3A_28 = tpu.memref_slice %arg7[%dma_start3A_17] : memref<5x!tpu.dma_semaphore, #tpu.memory_space<semaphore_mem>> -> memref<1x!tpu.dma_semaphore, #tpu.memory_space<semaphore_mem>>
    %dma_start3A_29 = tpu.memref_squeeze %dma_start3A_28 : memref<1x!tpu.dma_semaphore, #tpu.memory_space<semaphore_mem>> -> memref<!tpu.dma_semaphore, #tpu.memory_space<semaphore_mem>>
    tpu.enqueue_indirect_dma source(%dma_start3A_27 : memref<1000000x32xf32, #tpu.memory_space<hbm>>) target(%dma_start3A_21 : memref<512x32xf32, #tpu.memory_space<vmem>>) offsets(%dma_start3A_24 : memref<512xi32, #tpu.memory_space<vmem>>) semaphore(%dma_start3A_29 : memref<!tpu.dma_semaphore, #tpu.memory_space<semaphore_mem>>)
    %dma_start3A_30 = arith.constant 2 : i32
    %dma_start3A_31 = arith.constant 2 : i32
    %dma_start3A_32 = arith.constant 2 : i32
    %dma_start3A_33 = arith.constant 0 : i32
    %dma_start3A_34 = arith.constant 0 : i32
    %dma_start3A_35 = tpu.memref_slice %arg6[%dma_start3A_31, %dma_start3A_33, %dma_start3A_34] : memref<5x512x32xf32, #tpu.memory_space<vmem>> -> memref<1x512x32xf32, #tpu.memory_space<vmem>>
    %dma_start3A_36 = tpu.memref_squeeze %dma_start3A_35 : memref<1x512x32xf32, #tpu.memory_space<vmem>> -> memref<512x32xf32, #tpu.memory_space<vmem>>
    %dma_start3A_37 = arith.constant 0 : i32
    %dma_start3A_38 = tpu.memref_slice %arg5[%dma_start3A_30, %dma_start3A_37] : memref<50x512xi32, #tpu.memory_space<vmem>> -> memref<1x512xi32, #tpu.memory_space<vmem>>
    %dma_start3A_39 = tpu.memref_squeeze %dma_start3A_38 : memref<1x512xi32, #tpu.memory_space<vmem>> -> memref<512xi32, #tpu.memory_space<vmem>>
    %dma_start3A_40 = arith.constant 0 : i32
    %dma_start3A_41 = arith.constant 0 : i32
    %dma_start3A_42 = tpu.memref_slice %arg3[%dma_start3A_40, %dma_start3A_41] : memref<1000000x32xf32, #tpu.memory_space<hbm>> -> memref<1000000x32xf32, #tpu.memory_space<hbm>>
    %dma_start3A_43 = tpu.memref_slice %arg7[%dma_start3A_32] : memref<5x!tpu.dma_semaphore, #tpu.memory_space<semaphore_mem>> -> memref<1x!tpu.dma_semaphore, #tpu.memory_space<semaphore_mem>>
    %dma_start3A_44 = tpu.memref_squeeze %dma_start3A_43 : memref<1x!tpu.dma_semaphore, #tpu.memory_space<semaphore_mem>> -> memref<!tpu.dma_semaphore, #tpu.memory_space<semaphore_mem>>
    tpu.enqueue_indirect_dma source(%dma_start3A_42 : memref<1000000x32xf32, #tpu.memory_space<hbm>>) target(%dma_start3A_36 : memref<512x32xf32, #tpu.memory_space<vmem>>) offsets(%dma_start3A_39 : memref<512xi32, #tpu.memory_space<vmem>>) semaphore(%dma_start3A_44 : memref<!tpu.dma_semaphore, #tpu.memory_space<semaphore_mem>>)
    %dma_start3A_45 = arith.constant 3 : i32
    %dma_start3A_46 = arith.constant 3 : i32
    %dma_start3A_47 = arith.constant 3 : i32
    %dma_start3A_48 = arith.constant 0 : i32
    %dma_start3A_49 = arith.constant 0 : i32
    %dma_start3A_50 = tpu.memref_slice %arg6[%dma_start3A_46, %dma_start3A_48, %dma_start3A_49] : memref<5x512x32xf32, #tpu.memory_space<vmem>> -> memref<1x512x32xf32, #tpu.memory_space<vmem>>
    %dma_start3A_51 = tpu.memref_squeeze %dma_start3A_50 : memref<1x512x32xf32, #tpu.memory_space<vmem>> -> memref<512x32xf32, #tpu.memory_space<vmem>>
    %dma_start3A_52 = arith.constant 0 : i32
    %dma_start3A_53 = tpu.memref_slice %arg5[%dma_start3A_45, %dma_start3A_52] : memref<50x512xi32, #tpu.memory_space<vmem>> -> memref<1x512xi32, #tpu.memory_space<vmem>>
    %dma_start3A_54 = tpu.memref_squeeze %dma_start3A_53 : memref<1x512xi32, #tpu.memory_space<vmem>> -> memref<512xi32, #tpu.memory_space<vmem>>
    %dma_start3A_55 = arith.constant 0 : i32
    %dma_start3A_56 = arith.constant 0 : i32
    %dma_start3A_57 = tpu.memref_slice %arg3[%dma_start3A_55, %dma_start3A_56] : memref<1000000x32xf32, #tpu.memory_space<hbm>> -> memref<1000000x32xf32, #tpu.memory_space<hbm>>
    %dma_start3A_58 = tpu.memref_slice %arg7[%dma_start3A_47] : memref<5x!tpu.dma_semaphore, #tpu.memory_space<semaphore_mem>> -> memref<1x!tpu.dma_semaphore, #tpu.memory_space<semaphore_mem>>
    %dma_start3A_59 = tpu.memref_squeeze %dma_start3A_58 : memref<1x!tpu.dma_semaphore, #tpu.memory_space<semaphore_mem>> -> memref<!tpu.dma_semaphore, #tpu.memory_space<semaphore_mem>>
    tpu.enqueue_indirect_dma source(%dma_start3A_57 : memref<1000000x32xf32, #tpu.memory_space<hbm>>) target(%dma_start3A_51 : memref<512x32xf32, #tpu.memory_space<vmem>>) offsets(%dma_start3A_54 : memref<512xi32, #tpu.memory_space<vmem>>) semaphore(%dma_start3A_59 : memref<!tpu.dma_semaphore, #tpu.memory_space<semaphore_mem>>)
    %scan3A = arith.constant 0 : i32
    %scan3A_60 = arith.constant 10 : i32
    %scan3A_61 = arith.addi %scan3A, %scan3A_60 : i32
    %scan3A_62 = arith.constant 1 : i32
    scf.for %scan3A_163 = %scan3A to %scan3A_61 step %scan3A_62  : i32 {
      %mul3A_164 = arith.constant 5 : i32
      %mul3A_165 = arith.muli %scan3A_163, %mul3A_164 : i32
      %add3A_166 = arith.constant 0 : i32
      %add3A_167 = arith.addi %add3A_166, %mul3A_165 : i32
      %add3A_168 = arith.constant 0 : i32
      %add3A_169 = arith.addi %add3A_167, %add3A_168 : i32
      %add3A_170 = arith.constant 5 : i32
      %add3A_171 = arith.addi %add3A_169, %add3A_170 : i32
      %sub3A = arith.constant 1 : i32
      %sub3A_172 = arith.subi %add3A_171, %sub3A : i32
      %lt3A = arith.constant 50 : i32
      %lt3A_173 = arith.cmpi slt, %sub3A_172, %lt3A : i32
      %convert_element_type3A = arith.extui %lt3A_173 : i1 to i32
      %cond3A = arith.constant 0 : i32
      %cond3A_174 = arith.cmpi ne, %convert_element_type3A, %cond3A : i32
      scf.if %cond3A_174 {
        %ge3A = arith.constant 5 : i32
        %ge3A_404 = arith.cmpi sge, %sub3A_172, %ge3A : i32
        %convert_element_type3A_405 = arith.extui %ge3A_404 : i1 to i32
        %cond3A_406 = arith.constant 0 : i32
        %cond3A_407 = arith.cmpi ne, %convert_element_type3A_405, %cond3A_406 : i32
        scf.if %cond3A_407 {
          %sub3A_422 = arith.constant 5 : i32
          %sub3A_423 = arith.subi %sub3A_172, %sub3A_422 : i32
          %mul3A_424 = arith.constant 32 : i32
          %mul3A_425 = arith.muli %sub3A_423, %mul3A_424 : i32
          %mul3A_426 = arith.constant 512 : i32
          %mul3A_427 = arith.muli %mul3A_425, %mul3A_426 : i32
          %mul3A_428 = arith.constant 512 : i32
          %mul3A_429 = arith.muli %add3A, %mul3A_428 : i32
          %add3A_430 = arith.addi %mul3A_427, %mul3A_429 : i32
          %dma_wait3A_431 = arith.constant 4 : i32
          %dma_wait3A_432 = arith.constant 4 : i32
          %dma_wait3A_433 = arith.constant 0 : i32
          %dma_wait3A_434 = arith.constant 0 : i32
          %dma_wait3A_435 = tpu.memref_slice %arg6[%dma_wait3A_431, %dma_wait3A_433, %dma_wait3A_434] : memref<5x512x32xf32, #tpu.memory_space<vmem>> -> memref<1x512x32xf32, #tpu.memory_space<vmem>>
          %dma_wait3A_436 = tpu.memref_squeeze %dma_wait3A_435 : memref<1x512x32xf32, #tpu.memory_space<vmem>> -> memref<512x32xf32, #tpu.memory_space<vmem>>
          %dma_wait3A_437 = arith.constant 0 : i32
          %dma_wait3A_438 = tpu.memref_slice %arg4[%add3A_430, %dma_wait3A_437] : memref<819200x32xf32, #tpu.memory_space<hbm>> -> memref<512x32xf32, #tpu.memory_space<hbm>>
          %dma_wait3A_439 = tpu.memref_slice %arg8[%dma_wait3A_432] : memref<5x!tpu.dma_semaphore, #tpu.memory_space<semaphore_mem>> -> memref<1x!tpu.dma_semaphore, #tpu.memory_space<semaphore_mem>>
          %dma_wait3A_440 = tpu.memref_squeeze %dma_wait3A_439 : memref<1x!tpu.dma_semaphore, #tpu.memory_space<semaphore_mem>> -> memref<!tpu.dma_semaphore, #tpu.memory_space<semaphore_mem>>
          %dma_wait3A_441 = arith.constant 0 : i32
          %dma_wait3A_442 = tpu.memref_slice %arg4[%add3A_430, %dma_wait3A_441] : memref<819200x32xf32, #tpu.memory_space<hbm>> -> memref<512x32xf32, #tpu.memory_space<hbm>>
          %dma_wait3A_443 = arith.constant 0 : i32
          %dma_wait3A_444 = arith.constant 0 : i32
          %dma_wait3A_445 = tpu.memref_slice %arg6[%dma_wait3A_431, %dma_wait3A_443, %dma_wait3A_444] : memref<5x512x32xf32, #tpu.memory_space<vmem>> -> memref<1x512x32xf32, #tpu.memory_space<vmem>>
          %dma_wait3A_446 = tpu.memref_squeeze %dma_wait3A_445 : memref<1x512x32xf32, #tpu.memory_space<vmem>> -> memref<512x32xf32, #tpu.memory_space<vmem>>
          tpu.wait_dma2 semaphore(%dma_wait3A_440 : memref<!tpu.dma_semaphore, #tpu.memory_space<semaphore_mem>>) src(%dma_wait3A_446 : memref<512x32xf32, #tpu.memory_space<vmem>>) dst(%dma_wait3A_442 : memref<512x32xf32, #tpu.memory_space<hbm>>)
        } else {
        }
        %dma_start3A_408 = arith.constant 4 : i32
        %dma_start3A_409 = arith.constant 4 : i32
        %dma_start3A_410 = arith.constant 0 : i32
        %dma_start3A_411 = arith.constant 0 : i32
        %dma_start3A_412 = tpu.memref_slice %arg6[%dma_start3A_408, %dma_start3A_410, %dma_start3A_411] : memref<5x512x32xf32, #tpu.memory_space<vmem>> -> memref<1x512x32xf32, #tpu.memory_space<vmem>>
        %dma_start3A_413 = tpu.memref_squeeze %dma_start3A_412 : memref<1x512x32xf32, #tpu.memory_space<vmem>> -> memref<512x32xf32, #tpu.memory_space<vmem>>
        %dma_start3A_414 = arith.constant 0 : i32
        %dma_start3A_415 = tpu.memref_slice %arg5[%sub3A_172, %dma_start3A_414] : memref<50x512xi32, #tpu.memory_space<vmem>> -> memref<1x512xi32, #tpu.memory_space<vmem>>
        %dma_start3A_416 = tpu.memref_squeeze %dma_start3A_415 : memref<1x512xi32, #tpu.memory_space<vmem>> -> memref<512xi32, #tpu.memory_space<vmem>>
        %dma_start3A_417 = arith.constant 0 : i32
        %dma_start3A_418 = arith.constant 0 : i32
        %dma_start3A_419 = tpu.memref_slice %arg3[%dma_start3A_417, %dma_start3A_418] : memref<1000000x32xf32, #tpu.memory_space<hbm>> -> memref<1000000x32xf32, #tpu.memory_space<hbm>>
        %dma_start3A_420 = tpu.memref_slice %arg7[%dma_start3A_409] : memref<5x!tpu.dma_semaphore, #tpu.memory_space<semaphore_mem>> -> memref<1x!tpu.dma_semaphore, #tpu.memory_space<semaphore_mem>>
        %dma_start3A_421 = tpu.memref_squeeze %dma_start3A_420 : memref<1x!tpu.dma_semaphore, #tpu.memory_space<semaphore_mem>> -> memref<!tpu.dma_semaphore, #tpu.memory_space<semaphore_mem>>
        tpu.enqueue_indirect_dma source(%dma_start3A_419 : memref<1000000x32xf32, #tpu.memory_space<hbm>>) target(%dma_start3A_413 : memref<512x32xf32, #tpu.memory_space<vmem>>) offsets(%dma_start3A_416 : memref<512xi32, #tpu.memory_space<vmem>>) semaphore(%dma_start3A_421 : memref<!tpu.dma_semaphore, #tpu.memory_space<semaphore_mem>>)
      } else {
      }
      %dma_wait3A_175 = arith.constant 0 : i32
      %dma_wait3A_176 = arith.constant 0 : i32
      %dma_wait3A_177 = arith.constant 0 : i32
      %dma_wait3A_178 = arith.constant 0 : i32
      %dma_wait3A_179 = tpu.memref_slice %arg6[%dma_wait3A_175, %dma_wait3A_177, %dma_wait3A_178] : memref<5x512x32xf32, #tpu.memory_space<vmem>> -> memref<1x512x32xf32, #tpu.memory_space<vmem>>
      %dma_wait3A_180 = tpu.memref_squeeze %dma_wait3A_179 : memref<1x512x32xf32, #tpu.memory_space<vmem>> -> memref<512x32xf32, #tpu.memory_space<vmem>>
      %dma_wait3A_181 = arith.constant 0 : i32
      %dma_wait3A_182 = tpu.memref_slice %arg5[%add3A_169, %dma_wait3A_181] : memref<50x512xi32, #tpu.memory_space<vmem>> -> memref<1x512xi32, #tpu.memory_space<vmem>>
      %dma_wait3A_183 = tpu.memref_squeeze %dma_wait3A_182 : memref<1x512xi32, #tpu.memory_space<vmem>> -> memref<512xi32, #tpu.memory_space<vmem>>
      %dma_wait3A_184 = arith.constant 0 : i32
      %dma_wait3A_185 = arith.constant 0 : i32
      %dma_wait3A_186 = tpu.memref_slice %arg3[%dma_wait3A_184, %dma_wait3A_185] : memref<1000000x32xf32, #tpu.memory_space<hbm>> -> memref<1000000x32xf32, #tpu.memory_space<hbm>>
      %dma_wait3A_187 = tpu.memref_slice %arg7[%dma_wait3A_176] : memref<5x!tpu.dma_semaphore, #tpu.memory_space<semaphore_mem>> -> memref<1x!tpu.dma_semaphore, #tpu.memory_space<semaphore_mem>>
      %dma_wait3A_188 = tpu.memref_squeeze %dma_wait3A_187 : memref<1x!tpu.dma_semaphore, #tpu.memory_space<semaphore_mem>> -> memref<!tpu.dma_semaphore, #tpu.memory_space<semaphore_mem>>
      tpu.wait_indirect_dma semaphore(%dma_wait3A_188 : memref<!tpu.dma_semaphore, #tpu.memory_space<semaphore_mem>>) src(%dma_wait3A_186 : memref<1000000x32xf32, #tpu.memory_space<hbm>>) dst(%dma_wait3A_180 : memref<512x32xf32, #tpu.memory_space<vmem>>)
      %mul3A_189 = arith.constant 32 : i32
      %mul3A_190 = arith.muli %add3A_169, %mul3A_189 : i32
      %mul3A_191 = arith.constant 512 : i32
      %mul3A_192 = arith.muli %mul3A_190, %mul3A_191 : i32
      %mul3A_193 = arith.constant 512 : i32
      %mul3A_194 = arith.muli %add3A, %mul3A_193 : i32
      %add3A_195 = arith.addi %mul3A_192, %mul3A_194 : i32
      %dma_start3A_196 = arith.constant 0 : i32
      %dma_start3A_197 = arith.constant 0 : i32
      %dma_start3A_198 = arith.constant 0 : i32
      %dma_start3A_199 = arith.constant 0 : i32
      %dma_start3A_200 = tpu.memref_slice %arg6[%dma_start3A_196, %dma_start3A_198, %dma_start3A_199] : memref<5x512x32xf32, #tpu.memory_space<vmem>> -> memref<1x512x32xf32, #tpu.memory_space<vmem>>
      %dma_start3A_201 = tpu.memref_squeeze %dma_start3A_200 : memref<1x512x32xf32, #tpu.memory_space<vmem>> -> memref<512x32xf32, #tpu.memory_space<vmem>>
      %dma_start3A_202 = arith.constant 0 : i32
      %dma_start3A_203 = tpu.memref_slice %arg4[%add3A_195, %dma_start3A_202] : memref<819200x32xf32, #tpu.memory_space<hbm>> -> memref<512x32xf32, #tpu.memory_space<hbm>>
      %dma_start3A_204 = tpu.memref_slice %arg8[%dma_start3A_197] : memref<5x!tpu.dma_semaphore, #tpu.memory_space<semaphore_mem>> -> memref<1x!tpu.dma_semaphore, #tpu.memory_space<semaphore_mem>>
      %dma_start3A_205 = tpu.memref_squeeze %dma_start3A_204 : memref<1x!tpu.dma_semaphore, #tpu.memory_space<semaphore_mem>> -> memref<!tpu.dma_semaphore, #tpu.memory_space<semaphore_mem>>
      %dma_start3A_206 = arith.constant 0 : i32
      %dma_start3A_207 = tpu.memref_slice %arg4[%add3A_195, %dma_start3A_206] : memref<819200x32xf32, #tpu.memory_space<hbm>> -> memref<512x32xf32, #tpu.memory_space<hbm>>
      %dma_start3A_208 = arith.constant 0 : i32
      %dma_start3A_209 = arith.constant 0 : i32
      %dma_start3A_210 = tpu.memref_slice %arg6[%dma_start3A_196, %dma_start3A_208, %dma_start3A_209] : memref<5x512x32xf32, #tpu.memory_space<vmem>> -> memref<1x512x32xf32, #tpu.memory_space<vmem>>
      %dma_start3A_211 = tpu.memref_squeeze %dma_start3A_210 : memref<1x512x32xf32, #tpu.memory_space<vmem>> -> memref<512x32xf32, #tpu.memory_space<vmem>>
      tpu.enqueue_dma source(%dma_start3A_211 : memref<512x32xf32, #tpu.memory_space<vmem>>) target(%dma_start3A_207 : memref<512x32xf32, #tpu.memory_space<hbm>>) target_semaphore(%dma_start3A_205 : memref<!tpu.dma_semaphore, #tpu.memory_space<semaphore_mem>>)
      %add3A_212 = arith.constant 1 : i32
      %add3A_213 = arith.addi %add3A_167, %add3A_212 : i32
      %add3A_214 = arith.constant 5 : i32
      %add3A_215 = arith.addi %add3A_213, %add3A_214 : i32
      %sub3A_216 = arith.constant 1 : i32
      %sub3A_217 = arith.subi %add3A_215, %sub3A_216 : i32
      %lt3A_218 = arith.constant 50 : i32
      %lt3A_219 = arith.cmpi slt, %sub3A_217, %lt3A_218 : i32
      %convert_element_type3A_220 = arith.extui %lt3A_219 : i1 to i32
      %cond3A_221 = arith.constant 0 : i32
      %cond3A_222 = arith.cmpi ne, %convert_element_type3A_220, %cond3A_221 : i32
      scf.if %cond3A_222 {
        %ge3A = arith.constant 5 : i32
        %ge3A_404 = arith.cmpi sge, %sub3A_217, %ge3A : i32
        %convert_element_type3A_405 = arith.extui %ge3A_404 : i1 to i32
        %cond3A_406 = arith.constant 0 : i32
        %cond3A_407 = arith.cmpi ne, %convert_element_type3A_405, %cond3A_406 : i32
        scf.if %cond3A_407 {
          %sub3A_422 = arith.constant 5 : i32
          %sub3A_423 = arith.subi %sub3A_217, %sub3A_422 : i32
          %mul3A_424 = arith.constant 32 : i32
          %mul3A_425 = arith.muli %sub3A_423, %mul3A_424 : i32
          %mul3A_426 = arith.constant 512 : i32
          %mul3A_427 = arith.muli %mul3A_425, %mul3A_426 : i32
          %mul3A_428 = arith.constant 512 : i32
          %mul3A_429 = arith.muli %add3A, %mul3A_428 : i32
          %add3A_430 = arith.addi %mul3A_427, %mul3A_429 : i32
          %dma_wait3A_431 = arith.constant 0 : i32
          %dma_wait3A_432 = arith.constant 0 : i32
          %dma_wait3A_433 = arith.constant 0 : i32
          %dma_wait3A_434 = arith.constant 0 : i32
          %dma_wait3A_435 = tpu.memref_slice %arg6[%dma_wait3A_431, %dma_wait3A_433, %dma_wait3A_434] : memref<5x512x32xf32, #tpu.memory_space<vmem>> -> memref<1x512x32xf32, #tpu.memory_space<vmem>>
          %dma_wait3A_436 = tpu.memref_squeeze %dma_wait3A_435 : memref<1x512x32xf32, #tpu.memory_space<vmem>> -> memref<512x32xf32, #tpu.memory_space<vmem>>
          %dma_wait3A_437 = arith.constant 0 : i32
          %dma_wait3A_438 = tpu.memref_slice %arg4[%add3A_430, %dma_wait3A_437] : memref<819200x32xf32, #tpu.memory_space<hbm>> -> memref<512x32xf32, #tpu.memory_space<hbm>>
          %dma_wait3A_439 = tpu.memref_slice %arg8[%dma_wait3A_432] : memref<5x!tpu.dma_semaphore, #tpu.memory_space<semaphore_mem>> -> memref<1x!tpu.dma_semaphore, #tpu.memory_space<semaphore_mem>>
          %dma_wait3A_440 = tpu.memref_squeeze %dma_wait3A_439 : memref<1x!tpu.dma_semaphore, #tpu.memory_space<semaphore_mem>> -> memref<!tpu.dma_semaphore, #tpu.memory_space<semaphore_mem>>
          %dma_wait3A_441 = arith.constant 0 : i32
          %dma_wait3A_442 = tpu.memref_slice %arg4[%add3A_430, %dma_wait3A_441] : memref<819200x32xf32, #tpu.memory_space<hbm>> -> memref<512x32xf32, #tpu.memory_space<hbm>>
          %dma_wait3A_443 = arith.constant 0 : i32
          %dma_wait3A_444 = arith.constant 0 : i32
          %dma_wait3A_445 = tpu.memref_slice %arg6[%dma_wait3A_431, %dma_wait3A_443, %dma_wait3A_444] : memref<5x512x32xf32, #tpu.memory_space<vmem>> -> memref<1x512x32xf32, #tpu.memory_space<vmem>>
          %dma_wait3A_446 = tpu.memref_squeeze %dma_wait3A_445 : memref<1x512x32xf32, #tpu.memory_space<vmem>> -> memref<512x32xf32, #tpu.memory_space<vmem>>
          tpu.wait_dma2 semaphore(%dma_wait3A_440 : memref<!tpu.dma_semaphore, #tpu.memory_space<semaphore_mem>>) src(%dma_wait3A_446 : memref<512x32xf32, #tpu.memory_space<vmem>>) dst(%dma_wait3A_442 : memref<512x32xf32, #tpu.memory_space<hbm>>)
        } else {
        }
        %dma_start3A_408 = arith.constant 0 : i32
        %dma_start3A_409 = arith.constant 0 : i32
        %dma_start3A_410 = arith.constant 0 : i32
        %dma_start3A_411 = arith.constant 0 : i32
        %dma_start3A_412 = tpu.memref_slice %arg6[%dma_start3A_408, %dma_start3A_410, %dma_start3A_411] : memref<5x512x32xf32, #tpu.memory_space<vmem>> -> memref<1x512x32xf32, #tpu.memory_space<vmem>>
        %dma_start3A_413 = tpu.memref_squeeze %dma_start3A_412 : memref<1x512x32xf32, #tpu.memory_space<vmem>> -> memref<512x32xf32, #tpu.memory_space<vmem>>
        %dma_start3A_414 = arith.constant 0 : i32
        %dma_start3A_415 = tpu.memref_slice %arg5[%sub3A_217, %dma_start3A_414] : memref<50x512xi32, #tpu.memory_space<vmem>> -> memref<1x512xi32, #tpu.memory_space<vmem>>
        %dma_start3A_416 = tpu.memref_squeeze %dma_start3A_415 : memref<1x512xi32, #tpu.memory_space<vmem>> -> memref<512xi32, #tpu.memory_space<vmem>>
        %dma_start3A_417 = arith.constant 0 : i32
        %dma_start3A_418 = arith.constant 0 : i32
        %dma_start3A_419 = tpu.memref_slice %arg3[%dma_start3A_417, %dma_start3A_418] : memref<1000000x32xf32, #tpu.memory_space<hbm>> -> memref<1000000x32xf32, #tpu.memory_space<hbm>>
        %dma_start3A_420 = tpu.memref_slice %arg7[%dma_start3A_409] : memref<5x!tpu.dma_semaphore, #tpu.memory_space<semaphore_mem>> -> memref<1x!tpu.dma_semaphore, #tpu.memory_space<semaphore_mem>>
        %dma_start3A_421 = tpu.memref_squeeze %dma_start3A_420 : memref<1x!tpu.dma_semaphore, #tpu.memory_space<semaphore_mem>> -> memref<!tpu.dma_semaphore, #tpu.memory_space<semaphore_mem>>
        tpu.enqueue_indirect_dma source(%dma_start3A_419 : memref<1000000x32xf32, #tpu.memory_space<hbm>>) target(%dma_start3A_413 : memref<512x32xf32, #tpu.memory_space<vmem>>) offsets(%dma_start3A_416 : memref<512xi32, #tpu.memory_space<vmem>>) semaphore(%dma_start3A_421 : memref<!tpu.dma_semaphore, #tpu.memory_space<semaphore_mem>>)
      } else {
      }
      %dma_wait3A_223 = arith.constant 1 : i32
      %dma_wait3A_224 = arith.constant 1 : i32
      %dma_wait3A_225 = arith.constant 0 : i32
      %dma_wait3A_226 = arith.constant 0 : i32
      %dma_wait3A_227 = tpu.memref_slice %arg6[%dma_wait3A_223, %dma_wait3A_225, %dma_wait3A_226] : memref<5x512x32xf32, #tpu.memory_space<vmem>> -> memref<1x512x32xf32, #tpu.memory_space<vmem>>
      %dma_wait3A_228 = tpu.memref_squeeze %dma_wait3A_227 : memref<1x512x32xf32, #tpu.memory_space<vmem>> -> memref<512x32xf32, #tpu.memory_space<vmem>>
      %dma_wait3A_229 = arith.constant 0 : i32
      %dma_wait3A_230 = tpu.memref_slice %arg5[%add3A_213, %dma_wait3A_229] : memref<50x512xi32, #tpu.memory_space<vmem>> -> memref<1x512xi32, #tpu.memory_space<vmem>>
      %dma_wait3A_231 = tpu.memref_squeeze %dma_wait3A_230 : memref<1x512xi32, #tpu.memory_space<vmem>> -> memref<512xi32, #tpu.memory_space<vmem>>
      %dma_wait3A_232 = arith.constant 0 : i32
      %dma_wait3A_233 = arith.constant 0 : i32
      %dma_wait3A_234 = tpu.memref_slice %arg3[%dma_wait3A_232, %dma_wait3A_233] : memref<1000000x32xf32, #tpu.memory_space<hbm>> -> memref<1000000x32xf32, #tpu.memory_space<hbm>>
      %dma_wait3A_235 = tpu.memref_slice %arg7[%dma_wait3A_224] : memref<5x!tpu.dma_semaphore, #tpu.memory_space<semaphore_mem>> -> memref<1x!tpu.dma_semaphore, #tpu.memory_space<semaphore_mem>>
      %dma_wait3A_236 = tpu.memref_squeeze %dma_wait3A_235 : memref<1x!tpu.dma_semaphore, #tpu.memory_space<semaphore_mem>> -> memref<!tpu.dma_semaphore, #tpu.memory_space<semaphore_mem>>
      tpu.wait_indirect_dma semaphore(%dma_wait3A_236 : memref<!tpu.dma_semaphore, #tpu.memory_space<semaphore_mem>>) src(%dma_wait3A_234 : memref<1000000x32xf32, #tpu.memory_space<hbm>>) dst(%dma_wait3A_228 : memref<512x32xf32, #tpu.memory_space<vmem>>)
      %mul3A_237 = arith.constant 32 : i32
      %mul3A_238 = arith.muli %add3A_213, %mul3A_237 : i32
      %mul3A_239 = arith.constant 512 : i32
      %mul3A_240 = arith.muli %mul3A_238, %mul3A_239 : i32
      %mul3A_241 = arith.constant 512 : i32
      %mul3A_242 = arith.muli %add3A, %mul3A_241 : i32
      %add3A_243 = arith.addi %mul3A_240, %mul3A_242 : i32
      %dma_start3A_244 = arith.constant 1 : i32
      %dma_start3A_245 = arith.constant 1 : i32
      %dma_start3A_246 = arith.constant 0 : i32
      %dma_start3A_247 = arith.constant 0 : i32
      %dma_start3A_248 = tpu.memref_slice %arg6[%dma_start3A_244, %dma_start3A_246, %dma_start3A_247] : memref<5x512x32xf32, #tpu.memory_space<vmem>> -> memref<1x512x32xf32, #tpu.memory_space<vmem>>
      %dma_start3A_249 = tpu.memref_squeeze %dma_start3A_248 : memref<1x512x32xf32, #tpu.memory_space<vmem>> -> memref<512x32xf32, #tpu.memory_space<vmem>>
      %dma_start3A_250 = arith.constant 0 : i32
      %dma_start3A_251 = tpu.memref_slice %arg4[%add3A_243, %dma_start3A_250] : memref<819200x32xf32, #tpu.memory_space<hbm>> -> memref<512x32xf32, #tpu.memory_space<hbm>>
      %dma_start3A_252 = tpu.memref_slice %arg8[%dma_start3A_245] : memref<5x!tpu.dma_semaphore, #tpu.memory_space<semaphore_mem>> -> memref<1x!tpu.dma_semaphore, #tpu.memory_space<semaphore_mem>>
      %dma_start3A_253 = tpu.memref_squeeze %dma_start3A_252 : memref<1x!tpu.dma_semaphore, #tpu.memory_space<semaphore_mem>> -> memref<!tpu.dma_semaphore, #tpu.memory_space<semaphore_mem>>
      %dma_start3A_254 = arith.constant 0 : i32
      %dma_start3A_255 = tpu.memref_slice %arg4[%add3A_243, %dma_start3A_254] : memref<819200x32xf32, #tpu.memory_space<hbm>> -> memref<512x32xf32, #tpu.memory_space<hbm>>
      %dma_start3A_256 = arith.constant 0 : i32
      %dma_start3A_257 = arith.constant 0 : i32
      %dma_start3A_258 = tpu.memref_slice %arg6[%dma_start3A_244, %dma_start3A_256, %dma_start3A_257] : memref<5x512x32xf32, #tpu.memory_space<vmem>> -> memref<1x512x32xf32, #tpu.memory_space<vmem>>
      %dma_start3A_259 = tpu.memref_squeeze %dma_start3A_258 : memref<1x512x32xf32, #tpu.memory_space<vmem>> -> memref<512x32xf32, #tpu.memory_space<vmem>>
      tpu.enqueue_dma source(%dma_start3A_259 : memref<512x32xf32, #tpu.memory_space<vmem>>) target(%dma_start3A_255 : memref<512x32xf32, #tpu.memory_space<hbm>>) target_semaphore(%dma_start3A_253 : memref<!tpu.dma_semaphore, #tpu.memory_space<semaphore_mem>>)
      %add3A_260 = arith.constant 2 : i32
      %add3A_261 = arith.addi %add3A_167, %add3A_260 : i32
      %add3A_262 = arith.constant 5 : i32
      %add3A_263 = arith.addi %add3A_261, %add3A_262 : i32
      %sub3A_264 = arith.constant 1 : i32
      %sub3A_265 = arith.subi %add3A_263, %sub3A_264 : i32
      %lt3A_266 = arith.constant 50 : i32
      %lt3A_267 = arith.cmpi slt, %sub3A_265, %lt3A_266 : i32
      %convert_element_type3A_268 = arith.extui %lt3A_267 : i1 to i32
      %cond3A_269 = arith.constant 0 : i32
      %cond3A_270 = arith.cmpi ne, %convert_element_type3A_268, %cond3A_269 : i32
      scf.if %cond3A_270 {
        %ge3A = arith.constant 5 : i32
        %ge3A_404 = arith.cmpi sge, %sub3A_265, %ge3A : i32
        %convert_element_type3A_405 = arith.extui %ge3A_404 : i1 to i32
        %cond3A_406 = arith.constant 0 : i32
        %cond3A_407 = arith.cmpi ne, %convert_element_type3A_405, %cond3A_406 : i32
        scf.if %cond3A_407 {
          %sub3A_422 = arith.constant 5 : i32
          %sub3A_423 = arith.subi %sub3A_265, %sub3A_422 : i32
          %mul3A_424 = arith.constant 32 : i32
          %mul3A_425 = arith.muli %sub3A_423, %mul3A_424 : i32
          %mul3A_426 = arith.constant 512 : i32
          %mul3A_427 = arith.muli %mul3A_425, %mul3A_426 : i32
          %mul3A_428 = arith.constant 512 : i32
          %mul3A_429 = arith.muli %add3A, %mul3A_428 : i32
          %add3A_430 = arith.addi %mul3A_427, %mul3A_429 : i32
          %dma_wait3A_431 = arith.constant 1 : i32
          %dma_wait3A_432 = arith.constant 1 : i32
          %dma_wait3A_433 = arith.constant 0 : i32
          %dma_wait3A_434 = arith.constant 0 : i32
          %dma_wait3A_435 = tpu.memref_slice %arg6[%dma_wait3A_431, %dma_wait3A_433, %dma_wait3A_434] : memref<5x512x32xf32, #tpu.memory_space<vmem>> -> memref<1x512x32xf32, #tpu.memory_space<vmem>>
          %dma_wait3A_436 = tpu.memref_squeeze %dma_wait3A_435 : memref<1x512x32xf32, #tpu.memory_space<vmem>> -> memref<512x32xf32, #tpu.memory_space<vmem>>
          %dma_wait3A_437 = arith.constant 0 : i32
          %dma_wait3A_438 = tpu.memref_slice %arg4[%add3A_430, %dma_wait3A_437] : memref<819200x32xf32, #tpu.memory_space<hbm>> -> memref<512x32xf32, #tpu.memory_space<hbm>>
          %dma_wait3A_439 = tpu.memref_slice %arg8[%dma_wait3A_432] : memref<5x!tpu.dma_semaphore, #tpu.memory_space<semaphore_mem>> -> memref<1x!tpu.dma_semaphore, #tpu.memory_space<semaphore_mem>>
          %dma_wait3A_440 = tpu.memref_squeeze %dma_wait3A_439 : memref<1x!tpu.dma_semaphore, #tpu.memory_space<semaphore_mem>> -> memref<!tpu.dma_semaphore, #tpu.memory_space<semaphore_mem>>
          %dma_wait3A_441 = arith.constant 0 : i32
          %dma_wait3A_442 = tpu.memref_slice %arg4[%add3A_430, %dma_wait3A_441] : memref<819200x32xf32, #tpu.memory_space<hbm>> -> memref<512x32xf32, #tpu.memory_space<hbm>>
          %dma_wait3A_443 = arith.constant 0 : i32
          %dma_wait3A_444 = arith.constant 0 : i32
          %dma_wait3A_445 = tpu.memref_slice %arg6[%dma_wait3A_431, %dma_wait3A_443, %dma_wait3A_444] : memref<5x512x32xf32, #tpu.memory_space<vmem>> -> memref<1x512x32xf32, #tpu.memory_space<vmem>>
          %dma_wait3A_446 = tpu.memref_squeeze %dma_wait3A_445 : memref<1x512x32xf32, #tpu.memory_space<vmem>> -> memref<512x32xf32, #tpu.memory_space<vmem>>
          tpu.wait_dma2 semaphore(%dma_wait3A_440 : memref<!tpu.dma_semaphore, #tpu.memory_space<semaphore_mem>>) src(%dma_wait3A_446 : memref<512x32xf32, #tpu.memory_space<vmem>>) dst(%dma_wait3A_442 : memref<512x32xf32, #tpu.memory_space<hbm>>)
        } else {
        }
        %dma_start3A_408 = arith.constant 1 : i32
        %dma_start3A_409 = arith.constant 1 : i32
        %dma_start3A_410 = arith.constant 0 : i32
        %dma_start3A_411 = arith.constant 0 : i32
        %dma_start3A_412 = tpu.memref_slice %arg6[%dma_start3A_408, %dma_start3A_410, %dma_start3A_411] : memref<5x512x32xf32, #tpu.memory_space<vmem>> -> memref<1x512x32xf32, #tpu.memory_space<vmem>>
        %dma_start3A_413 = tpu.memref_squeeze %dma_start3A_412 : memref<1x512x32xf32, #tpu.memory_space<vmem>> -> memref<512x32xf32, #tpu.memory_space<vmem>>
        %dma_start3A_414 = arith.constant 0 : i32
        %dma_start3A_415 = tpu.memref_slice %arg5[%sub3A_265, %dma_start3A_414] : memref<50x512xi32, #tpu.memory_space<vmem>> -> memref<1x512xi32, #tpu.memory_space<vmem>>
        %dma_start3A_416 = tpu.memref_squeeze %dma_start3A_415 : memref<1x512xi32, #tpu.memory_space<vmem>> -> memref<512xi32, #tpu.memory_space<vmem>>
        %dma_start3A_417 = arith.constant 0 : i32
        %dma_start3A_418 = arith.constant 0 : i32
        %dma_start3A_419 = tpu.memref_slice %arg3[%dma_start3A_417, %dma_start3A_418] : memref<1000000x32xf32, #tpu.memory_space<hbm>> -> memref<1000000x32xf32, #tpu.memory_space<hbm>>
        %dma_start3A_420 = tpu.memref_slice %arg7[%dma_start3A_409] : memref<5x!tpu.dma_semaphore, #tpu.memory_space<semaphore_mem>> -> memref<1x!tpu.dma_semaphore, #tpu.memory_space<semaphore_mem>>
        %dma_start3A_421 = tpu.memref_squeeze %dma_start3A_420 : memref<1x!tpu.dma_semaphore, #tpu.memory_space<semaphore_mem>> -> memref<!tpu.dma_semaphore, #tpu.memory_space<semaphore_mem>>
        tpu.enqueue_indirect_dma source(%dma_start3A_419 : memref<1000000x32xf32, #tpu.memory_space<hbm>>) target(%dma_start3A_413 : memref<512x32xf32, #tpu.memory_space<vmem>>) offsets(%dma_start3A_416 : memref<512xi32, #tpu.memory_space<vmem>>) semaphore(%dma_start3A_421 : memref<!tpu.dma_semaphore, #tpu.memory_space<semaphore_mem>>)
      } else {
      }
      %dma_wait3A_271 = arith.constant 2 : i32
      %dma_wait3A_272 = arith.constant 2 : i32
      %dma_wait3A_273 = arith.constant 0 : i32
      %dma_wait3A_274 = arith.constant 0 : i32
      %dma_wait3A_275 = tpu.memref_slice %arg6[%dma_wait3A_271, %dma_wait3A_273, %dma_wait3A_274] : memref<5x512x32xf32, #tpu.memory_space<vmem>> -> memref<1x512x32xf32, #tpu.memory_space<vmem>>
      %dma_wait3A_276 = tpu.memref_squeeze %dma_wait3A_275 : memref<1x512x32xf32, #tpu.memory_space<vmem>> -> memref<512x32xf32, #tpu.memory_space<vmem>>
      %dma_wait3A_277 = arith.constant 0 : i32
      %dma_wait3A_278 = tpu.memref_slice %arg5[%add3A_261, %dma_wait3A_277] : memref<50x512xi32, #tpu.memory_space<vmem>> -> memref<1x512xi32, #tpu.memory_space<vmem>>
      %dma_wait3A_279 = tpu.memref_squeeze %dma_wait3A_278 : memref<1x512xi32, #tpu.memory_space<vmem>> -> memref<512xi32, #tpu.memory_space<vmem>>
      %dma_wait3A_280 = arith.constant 0 : i32
      %dma_wait3A_281 = arith.constant 0 : i32
      %dma_wait3A_282 = tpu.memref_slice %arg3[%dma_wait3A_280, %dma_wait3A_281] : memref<1000000x32xf32, #tpu.memory_space<hbm>> -> memref<1000000x32xf32, #tpu.memory_space<hbm>>
      %dma_wait3A_283 = tpu.memref_slice %arg7[%dma_wait3A_272] : memref<5x!tpu.dma_semaphore, #tpu.memory_space<semaphore_mem>> -> memref<1x!tpu.dma_semaphore, #tpu.memory_space<semaphore_mem>>
      %dma_wait3A_284 = tpu.memref_squeeze %dma_wait3A_283 : memref<1x!tpu.dma_semaphore, #tpu.memory_space<semaphore_mem>> -> memref<!tpu.dma_semaphore, #tpu.memory_space<semaphore_mem>>
      tpu.wait_indirect_dma semaphore(%dma_wait3A_284 : memref<!tpu.dma_semaphore, #tpu.memory_space<semaphore_mem>>) src(%dma_wait3A_282 : memref<1000000x32xf32, #tpu.memory_space<hbm>>) dst(%dma_wait3A_276 : memref<512x32xf32, #tpu.memory_space<vmem>>)
      %mul3A_285 = arith.constant 32 : i32
      %mul3A_286 = arith.muli %add3A_261, %mul3A_285 : i32
      %mul3A_287 = arith.constant 512 : i32
      %mul3A_288 = arith.muli %mul3A_286, %mul3A_287 : i32
      %mul3A_289 = arith.constant 512 : i32
      %mul3A_290 = arith.muli %add3A, %mul3A_289 : i32
      %add3A_291 = arith.addi %mul3A_288, %mul3A_290 : i32
      %dma_start3A_292 = arith.constant 2 : i32
      %dma_start3A_293 = arith.constant 2 : i32
      %dma_start3A_294 = arith.constant 0 : i32
      %dma_start3A_295 = arith.constant 0 : i32
      %dma_start3A_296 = tpu.memref_slice %arg6[%dma_start3A_292, %dma_start3A_294, %dma_start3A_295] : memref<5x512x32xf32, #tpu.memory_space<vmem>> -> memref<1x512x32xf32, #tpu.memory_space<vmem>>
      %dma_start3A_297 = tpu.memref_squeeze %dma_start3A_296 : memref<1x512x32xf32, #tpu.memory_space<vmem>> -> memref<512x32xf32, #tpu.memory_space<vmem>>
      %dma_start3A_298 = arith.constant 0 : i32
      %dma_start3A_299 = tpu.memref_slice %arg4[%add3A_291, %dma_start3A_298] : memref<819200x32xf32, #tpu.memory_space<hbm>> -> memref<512x32xf32, #tpu.memory_space<hbm>>
      %dma_start3A_300 = tpu.memref_slice %arg8[%dma_start3A_293] : memref<5x!tpu.dma_semaphore, #tpu.memory_space<semaphore_mem>> -> memref<1x!tpu.dma_semaphore, #tpu.memory_space<semaphore_mem>>
      %dma_start3A_301 = tpu.memref_squeeze %dma_start3A_300 : memref<1x!tpu.dma_semaphore, #tpu.memory_space<semaphore_mem>> -> memref<!tpu.dma_semaphore, #tpu.memory_space<semaphore_mem>>
      %dma_start3A_302 = arith.constant 0 : i32
      %dma_start3A_303 = tpu.memref_slice %arg4[%add3A_291, %dma_start3A_302] : memref<819200x32xf32, #tpu.memory_space<hbm>> -> memref<512x32xf32, #tpu.memory_space<hbm>>
      %dma_start3A_304 = arith.constant 0 : i32
      %dma_start3A_305 = arith.constant 0 : i32
      %dma_start3A_306 = tpu.memref_slice %arg6[%dma_start3A_292, %dma_start3A_304, %dma_start3A_305] : memref<5x512x32xf32, #tpu.memory_space<vmem>> -> memref<1x512x32xf32, #tpu.memory_space<vmem>>
      %dma_start3A_307 = tpu.memref_squeeze %dma_start3A_306 : memref<1x512x32xf32, #tpu.memory_space<vmem>> -> memref<512x32xf32, #tpu.memory_space<vmem>>
      tpu.enqueue_dma source(%dma_start3A_307 : memref<512x32xf32, #tpu.memory_space<vmem>>) target(%dma_start3A_303 : memref<512x32xf32, #tpu.memory_space<hbm>>) target_semaphore(%dma_start3A_301 : memref<!tpu.dma_semaphore, #tpu.memory_space<semaphore_mem>>)
      %add3A_308 = arith.constant 3 : i32
      %add3A_309 = arith.addi %add3A_167, %add3A_308 : i32
      %add3A_310 = arith.constant 5 : i32
      %add3A_311 = arith.addi %add3A_309, %add3A_310 : i32
      %sub3A_312 = arith.constant 1 : i32
      %sub3A_313 = arith.subi %add3A_311, %sub3A_312 : i32
      %lt3A_314 = arith.constant 50 : i32
      %lt3A_315 = arith.cmpi slt, %sub3A_313, %lt3A_314 : i32
      %convert_element_type3A_316 = arith.extui %lt3A_315 : i1 to i32
      %cond3A_317 = arith.constant 0 : i32
      %cond3A_318 = arith.cmpi ne, %convert_element_type3A_316, %cond3A_317 : i32
      scf.if %cond3A_318 {
        %ge3A = arith.constant 5 : i32
        %ge3A_404 = arith.cmpi sge, %sub3A_313, %ge3A : i32
        %convert_element_type3A_405 = arith.extui %ge3A_404 : i1 to i32
        %cond3A_406 = arith.constant 0 : i32
        %cond3A_407 = arith.cmpi ne, %convert_element_type3A_405, %cond3A_406 : i32
        scf.if %cond3A_407 {
          %sub3A_422 = arith.constant 5 : i32
          %sub3A_423 = arith.subi %sub3A_313, %sub3A_422 : i32
          %mul3A_424 = arith.constant 32 : i32
          %mul3A_425 = arith.muli %sub3A_423, %mul3A_424 : i32
          %mul3A_426 = arith.constant 512 : i32
          %mul3A_427 = arith.muli %mul3A_425, %mul3A_426 : i32
          %mul3A_428 = arith.constant 512 : i32
          %mul3A_429 = arith.muli %add3A, %mul3A_428 : i32
          %add3A_430 = arith.addi %mul3A_427, %mul3A_429 : i32
          %dma_wait3A_431 = arith.constant 2 : i32
          %dma_wait3A_432 = arith.constant 2 : i32
          %dma_wait3A_433 = arith.constant 0 : i32
          %dma_wait3A_434 = arith.constant 0 : i32
          %dma_wait3A_435 = tpu.memref_slice %arg6[%dma_wait3A_431, %dma_wait3A_433, %dma_wait3A_434] : memref<5x512x32xf32, #tpu.memory_space<vmem>> -> memref<1x512x32xf32, #tpu.memory_space<vmem>>
          %dma_wait3A_436 = tpu.memref_squeeze %dma_wait3A_435 : memref<1x512x32xf32, #tpu.memory_space<vmem>> -> memref<512x32xf32, #tpu.memory_space<vmem>>
          %dma_wait3A_437 = arith.constant 0 : i32
          %dma_wait3A_438 = tpu.memref_slice %arg4[%add3A_430, %dma_wait3A_437] : memref<819200x32xf32, #tpu.memory_space<hbm>> -> memref<512x32xf32, #tpu.memory_space<hbm>>
          %dma_wait3A_439 = tpu.memref_slice %arg8[%dma_wait3A_432] : memref<5x!tpu.dma_semaphore, #tpu.memory_space<semaphore_mem>> -> memref<1x!tpu.dma_semaphore, #tpu.memory_space<semaphore_mem>>
          %dma_wait3A_440 = tpu.memref_squeeze %dma_wait3A_439 : memref<1x!tpu.dma_semaphore, #tpu.memory_space<semaphore_mem>> -> memref<!tpu.dma_semaphore, #tpu.memory_space<semaphore_mem>>
          %dma_wait3A_441 = arith.constant 0 : i32
          %dma_wait3A_442 = tpu.memref_slice %arg4[%add3A_430, %dma_wait3A_441] : memref<819200x32xf32, #tpu.memory_space<hbm>> -> memref<512x32xf32, #tpu.memory_space<hbm>>
          %dma_wait3A_443 = arith.constant 0 : i32
          %dma_wait3A_444 = arith.constant 0 : i32
          %dma_wait3A_445 = tpu.memref_slice %arg6[%dma_wait3A_431, %dma_wait3A_443, %dma_wait3A_444] : memref<5x512x32xf32, #tpu.memory_space<vmem>> -> memref<1x512x32xf32, #tpu.memory_space<vmem>>
          %dma_wait3A_446 = tpu.memref_squeeze %dma_wait3A_445 : memref<1x512x32xf32, #tpu.memory_space<vmem>> -> memref<512x32xf32, #tpu.memory_space<vmem>>
          tpu.wait_dma2 semaphore(%dma_wait3A_440 : memref<!tpu.dma_semaphore, #tpu.memory_space<semaphore_mem>>) src(%dma_wait3A_446 : memref<512x32xf32, #tpu.memory_space<vmem>>) dst(%dma_wait3A_442 : memref<512x32xf32, #tpu.memory_space<hbm>>)
        } else {
        }
        %dma_start3A_408 = arith.constant 2 : i32
        %dma_start3A_409 = arith.constant 2 : i32
        %dma_start3A_410 = arith.constant 0 : i32
        %dma_start3A_411 = arith.constant 0 : i32
        %dma_start3A_412 = tpu.memref_slice %arg6[%dma_start3A_408, %dma_start3A_410, %dma_start3A_411] : memref<5x512x32xf32, #tpu.memory_space<vmem>> -> memref<1x512x32xf32, #tpu.memory_space<vmem>>
        %dma_start3A_413 = tpu.memref_squeeze %dma_start3A_412 : memref<1x512x32xf32, #tpu.memory_space<vmem>> -> memref<512x32xf32, #tpu.memory_space<vmem>>
        %dma_start3A_414 = arith.constant 0 : i32
        %dma_start3A_415 = tpu.memref_slice %arg5[%sub3A_313, %dma_start3A_414] : memref<50x512xi32, #tpu.memory_space<vmem>> -> memref<1x512xi32, #tpu.memory_space<vmem>>
        %dma_start3A_416 = tpu.memref_squeeze %dma_start3A_415 : memref<1x512xi32, #tpu.memory_space<vmem>> -> memref<512xi32, #tpu.memory_space<vmem>>
        %dma_start3A_417 = arith.constant 0 : i32
        %dma_start3A_418 = arith.constant 0 : i32
        %dma_start3A_419 = tpu.memref_slice %arg3[%dma_start3A_417, %dma_start3A_418] : memref<1000000x32xf32, #tpu.memory_space<hbm>> -> memref<1000000x32xf32, #tpu.memory_space<hbm>>
        %dma_start3A_420 = tpu.memref_slice %arg7[%dma_start3A_409] : memref<5x!tpu.dma_semaphore, #tpu.memory_space<semaphore_mem>> -> memref<1x!tpu.dma_semaphore, #tpu.memory_space<semaphore_mem>>
        %dma_start3A_421 = tpu.memref_squeeze %dma_start3A_420 : memref<1x!tpu.dma_semaphore, #tpu.memory_space<semaphore_mem>> -> memref<!tpu.dma_semaphore, #tpu.memory_space<semaphore_mem>>
        tpu.enqueue_indirect_dma source(%dma_start3A_419 : memref<1000000x32xf32, #tpu.memory_space<hbm>>) target(%dma_start3A_413 : memref<512x32xf32, #tpu.memory_space<vmem>>) offsets(%dma_start3A_416 : memref<512xi32, #tpu.memory_space<vmem>>) semaphore(%dma_start3A_421 : memref<!tpu.dma_semaphore, #tpu.memory_space<semaphore_mem>>)
      } else {
      }
      %dma_wait3A_319 = arith.constant 3 : i32
      %dma_wait3A_320 = arith.constant 3 : i32
      %dma_wait3A_321 = arith.constant 0 : i32
      %dma_wait3A_322 = arith.constant 0 : i32
      %dma_wait3A_323 = tpu.memref_slice %arg6[%dma_wait3A_319, %dma_wait3A_321, %dma_wait3A_322] : memref<5x512x32xf32, #tpu.memory_space<vmem>> -> memref<1x512x32xf32, #tpu.memory_space<vmem>>
      %dma_wait3A_324 = tpu.memref_squeeze %dma_wait3A_323 : memref<1x512x32xf32, #tpu.memory_space<vmem>> -> memref<512x32xf32, #tpu.memory_space<vmem>>
      %dma_wait3A_325 = arith.constant 0 : i32
      %dma_wait3A_326 = tpu.memref_slice %arg5[%add3A_309, %dma_wait3A_325] : memref<50x512xi32, #tpu.memory_space<vmem>> -> memref<1x512xi32, #tpu.memory_space<vmem>>
      %dma_wait3A_327 = tpu.memref_squeeze %dma_wait3A_326 : memref<1x512xi32, #tpu.memory_space<vmem>> -> memref<512xi32, #tpu.memory_space<vmem>>
      %dma_wait3A_328 = arith.constant 0 : i32
      %dma_wait3A_329 = arith.constant 0 : i32
      %dma_wait3A_330 = tpu.memref_slice %arg3[%dma_wait3A_328, %dma_wait3A_329] : memref<1000000x32xf32, #tpu.memory_space<hbm>> -> memref<1000000x32xf32, #tpu.memory_space<hbm>>
      %dma_wait3A_331 = tpu.memref_slice %arg7[%dma_wait3A_320] : memref<5x!tpu.dma_semaphore, #tpu.memory_space<semaphore_mem>> -> memref<1x!tpu.dma_semaphore, #tpu.memory_space<semaphore_mem>>
      %dma_wait3A_332 = tpu.memref_squeeze %dma_wait3A_331 : memref<1x!tpu.dma_semaphore, #tpu.memory_space<semaphore_mem>> -> memref<!tpu.dma_semaphore, #tpu.memory_space<semaphore_mem>>
      tpu.wait_indirect_dma semaphore(%dma_wait3A_332 : memref<!tpu.dma_semaphore, #tpu.memory_space<semaphore_mem>>) src(%dma_wait3A_330 : memref<1000000x32xf32, #tpu.memory_space<hbm>>) dst(%dma_wait3A_324 : memref<512x32xf32, #tpu.memory_space<vmem>>)
      %mul3A_333 = arith.constant 32 : i32
      %mul3A_334 = arith.muli %add3A_309, %mul3A_333 : i32
      %mul3A_335 = arith.constant 512 : i32
      %mul3A_336 = arith.muli %mul3A_334, %mul3A_335 : i32
      %mul3A_337 = arith.constant 512 : i32
      %mul3A_338 = arith.muli %add3A, %mul3A_337 : i32
      %add3A_339 = arith.addi %mul3A_336, %mul3A_338 : i32
      %dma_start3A_340 = arith.constant 3 : i32
      %dma_start3A_341 = arith.constant 3 : i32
      %dma_start3A_342 = arith.constant 0 : i32
      %dma_start3A_343 = arith.constant 0 : i32
      %dma_start3A_344 = tpu.memref_slice %arg6[%dma_start3A_340, %dma_start3A_342, %dma_start3A_343] : memref<5x512x32xf32, #tpu.memory_space<vmem>> -> memref<1x512x32xf32, #tpu.memory_space<vmem>>
      %dma_start3A_345 = tpu.memref_squeeze %dma_start3A_344 : memref<1x512x32xf32, #tpu.memory_space<vmem>> -> memref<512x32xf32, #tpu.memory_space<vmem>>
      %dma_start3A_346 = arith.constant 0 : i32
      %dma_start3A_347 = tpu.memref_slice %arg4[%add3A_339, %dma_start3A_346] : memref<819200x32xf32, #tpu.memory_space<hbm>> -> memref<512x32xf32, #tpu.memory_space<hbm>>
      %dma_start3A_348 = tpu.memref_slice %arg8[%dma_start3A_341] : memref<5x!tpu.dma_semaphore, #tpu.memory_space<semaphore_mem>> -> memref<1x!tpu.dma_semaphore, #tpu.memory_space<semaphore_mem>>
      %dma_start3A_349 = tpu.memref_squeeze %dma_start3A_348 : memref<1x!tpu.dma_semaphore, #tpu.memory_space<semaphore_mem>> -> memref<!tpu.dma_semaphore, #tpu.memory_space<semaphore_mem>>
      %dma_start3A_350 = arith.constant 0 : i32
      %dma_start3A_351 = tpu.memref_slice %arg4[%add3A_339, %dma_start3A_350] : memref<819200x32xf32, #tpu.memory_space<hbm>> -> memref<512x32xf32, #tpu.memory_space<hbm>>
      %dma_start3A_352 = arith.constant 0 : i32
      %dma_start3A_353 = arith.constant 0 : i32
      %dma_start3A_354 = tpu.memref_slice %arg6[%dma_start3A_340, %dma_start3A_352, %dma_start3A_353] : memref<5x512x32xf32, #tpu.memory_space<vmem>> -> memref<1x512x32xf32, #tpu.memory_space<vmem>>
      %dma_start3A_355 = tpu.memref_squeeze %dma_start3A_354 : memref<1x512x32xf32, #tpu.memory_space<vmem>> -> memref<512x32xf32, #tpu.memory_space<vmem>>
      tpu.enqueue_dma source(%dma_start3A_355 : memref<512x32xf32, #tpu.memory_space<vmem>>) target(%dma_start3A_351 : memref<512x32xf32, #tpu.memory_space<hbm>>) target_semaphore(%dma_start3A_349 : memref<!tpu.dma_semaphore, #tpu.memory_space<semaphore_mem>>)
      %add3A_356 = arith.constant 4 : i32
      %add3A_357 = arith.addi %add3A_167, %add3A_356 : i32
      %add3A_358 = arith.constant 5 : i32
      %add3A_359 = arith.addi %add3A_357, %add3A_358 : i32
      %sub3A_360 = arith.constant 1 : i32
      %sub3A_361 = arith.subi %add3A_359, %sub3A_360 : i32
      %lt3A_362 = arith.constant 50 : i32
      %lt3A_363 = arith.cmpi slt, %sub3A_361, %lt3A_362 : i32
      %convert_element_type3A_364 = arith.extui %lt3A_363 : i1 to i32
      %cond3A_365 = arith.constant 0 : i32
      %cond3A_366 = arith.cmpi ne, %convert_element_type3A_364, %cond3A_365 : i32
      scf.if %cond3A_366 {
        %ge3A = arith.constant 5 : i32
        %ge3A_404 = arith.cmpi sge, %sub3A_361, %ge3A : i32
        %convert_element_type3A_405 = arith.extui %ge3A_404 : i1 to i32
        %cond3A_406 = arith.constant 0 : i32
        %cond3A_407 = arith.cmpi ne, %convert_element_type3A_405, %cond3A_406 : i32
        scf.if %cond3A_407 {
          %sub3A_422 = arith.constant 5 : i32
          %sub3A_423 = arith.subi %sub3A_361, %sub3A_422 : i32
          %mul3A_424 = arith.constant 32 : i32
          %mul3A_425 = arith.muli %sub3A_423, %mul3A_424 : i32
          %mul3A_426 = arith.constant 512 : i32
          %mul3A_427 = arith.muli %mul3A_425, %mul3A_426 : i32
          %mul3A_428 = arith.constant 512 : i32
          %mul3A_429 = arith.muli %add3A, %mul3A_428 : i32
          %add3A_430 = arith.addi %mul3A_427, %mul3A_429 : i32
          %dma_wait3A_431 = arith.constant 3 : i32
          %dma_wait3A_432 = arith.constant 3 : i32
          %dma_wait3A_433 = arith.constant 0 : i32
          %dma_wait3A_434 = arith.constant 0 : i32
          %dma_wait3A_435 = tpu.memref_slice %arg6[%dma_wait3A_431, %dma_wait3A_433, %dma_wait3A_434] : memref<5x512x32xf32, #tpu.memory_space<vmem>> -> memref<1x512x32xf32, #tpu.memory_space<vmem>>
          %dma_wait3A_436 = tpu.memref_squeeze %dma_wait3A_435 : memref<1x512x32xf32, #tpu.memory_space<vmem>> -> memref<512x32xf32, #tpu.memory_space<vmem>>
          %dma_wait3A_437 = arith.constant 0 : i32
          %dma_wait3A_438 = tpu.memref_slice %arg4[%add3A_430, %dma_wait3A_437] : memref<819200x32xf32, #tpu.memory_space<hbm>> -> memref<512x32xf32, #tpu.memory_space<hbm>>
          %dma_wait3A_439 = tpu.memref_slice %arg8[%dma_wait3A_432] : memref<5x!tpu.dma_semaphore, #tpu.memory_space<semaphore_mem>> -> memref<1x!tpu.dma_semaphore, #tpu.memory_space<semaphore_mem>>
          %dma_wait3A_440 = tpu.memref_squeeze %dma_wait3A_439 : memref<1x!tpu.dma_semaphore, #tpu.memory_space<semaphore_mem>> -> memref<!tpu.dma_semaphore, #tpu.memory_space<semaphore_mem>>
          %dma_wait3A_441 = arith.constant 0 : i32
          %dma_wait3A_442 = tpu.memref_slice %arg4[%add3A_430, %dma_wait3A_441] : memref<819200x32xf32, #tpu.memory_space<hbm>> -> memref<512x32xf32, #tpu.memory_space<hbm>>
          %dma_wait3A_443 = arith.constant 0 : i32
          %dma_wait3A_444 = arith.constant 0 : i32
          %dma_wait3A_445 = tpu.memref_slice %arg6[%dma_wait3A_431, %dma_wait3A_443, %dma_wait3A_444] : memref<5x512x32xf32, #tpu.memory_space<vmem>> -> memref<1x512x32xf32, #tpu.memory_space<vmem>>
          %dma_wait3A_446 = tpu.memref_squeeze %dma_wait3A_445 : memref<1x512x32xf32, #tpu.memory_space<vmem>> -> memref<512x32xf32, #tpu.memory_space<vmem>>
          tpu.wait_dma2 semaphore(%dma_wait3A_440 : memref<!tpu.dma_semaphore, #tpu.memory_space<semaphore_mem>>) src(%dma_wait3A_446 : memref<512x32xf32, #tpu.memory_space<vmem>>) dst(%dma_wait3A_442 : memref<512x32xf32, #tpu.memory_space<hbm>>)
        } else {
        }
        %dma_start3A_408 = arith.constant 3 : i32
        %dma_start3A_409 = arith.constant 3 : i32
        %dma_start3A_410 = arith.constant 0 : i32
        %dma_start3A_411 = arith.constant 0 : i32
        %dma_start3A_412 = tpu.memref_slice %arg6[%dma_start3A_408, %dma_start3A_410, %dma_start3A_411] : memref<5x512x32xf32, #tpu.memory_space<vmem>> -> memref<1x512x32xf32, #tpu.memory_space<vmem>>
        %dma_start3A_413 = tpu.memref_squeeze %dma_start3A_412 : memref<1x512x32xf32, #tpu.memory_space<vmem>> -> memref<512x32xf32, #tpu.memory_space<vmem>>
        %dma_start3A_414 = arith.constant 0 : i32
        %dma_start3A_415 = tpu.memref_slice %arg5[%sub3A_361, %dma_start3A_414] : memref<50x512xi32, #tpu.memory_space<vmem>> -> memref<1x512xi32, #tpu.memory_space<vmem>>
        %dma_start3A_416 = tpu.memref_squeeze %dma_start3A_415 : memref<1x512xi32, #tpu.memory_space<vmem>> -> memref<512xi32, #tpu.memory_space<vmem>>
        %dma_start3A_417 = arith.constant 0 : i32
        %dma_start3A_418 = arith.constant 0 : i32
        %dma_start3A_419 = tpu.memref_slice %arg3[%dma_start3A_417, %dma_start3A_418] : memref<1000000x32xf32, #tpu.memory_space<hbm>> -> memref<1000000x32xf32, #tpu.memory_space<hbm>>
        %dma_start3A_420 = tpu.memref_slice %arg7[%dma_start3A_409] : memref<5x!tpu.dma_semaphore, #tpu.memory_space<semaphore_mem>> -> memref<1x!tpu.dma_semaphore, #tpu.memory_space<semaphore_mem>>
        %dma_start3A_421 = tpu.memref_squeeze %dma_start3A_420 : memref<1x!tpu.dma_semaphore, #tpu.memory_space<semaphore_mem>> -> memref<!tpu.dma_semaphore, #tpu.memory_space<semaphore_mem>>
        tpu.enqueue_indirect_dma source(%dma_start3A_419 : memref<1000000x32xf32, #tpu.memory_space<hbm>>) target(%dma_start3A_413 : memref<512x32xf32, #tpu.memory_space<vmem>>) offsets(%dma_start3A_416 : memref<512xi32, #tpu.memory_space<vmem>>) semaphore(%dma_start3A_421 : memref<!tpu.dma_semaphore, #tpu.memory_space<semaphore_mem>>)
      } else {
      }
      %dma_wait3A_367 = arith.constant 4 : i32
      %dma_wait3A_368 = arith.constant 4 : i32
      %dma_wait3A_369 = arith.constant 0 : i32
      %dma_wait3A_370 = arith.constant 0 : i32
      %dma_wait3A_371 = tpu.memref_slice %arg6[%dma_wait3A_367, %dma_wait3A_369, %dma_wait3A_370] : memref<5x512x32xf32, #tpu.memory_space<vmem>> -> memref<1x512x32xf32, #tpu.memory_space<vmem>>
      %dma_wait3A_372 = tpu.memref_squeeze %dma_wait3A_371 : memref<1x512x32xf32, #tpu.memory_space<vmem>> -> memref<512x32xf32, #tpu.memory_space<vmem>>
      %dma_wait3A_373 = arith.constant 0 : i32
      %dma_wait3A_374 = tpu.memref_slice %arg5[%add3A_357, %dma_wait3A_373] : memref<50x512xi32, #tpu.memory_space<vmem>> -> memref<1x512xi32, #tpu.memory_space<vmem>>
      %dma_wait3A_375 = tpu.memref_squeeze %dma_wait3A_374 : memref<1x512xi32, #tpu.memory_space<vmem>> -> memref<512xi32, #tpu.memory_space<vmem>>
      %dma_wait3A_376 = arith.constant 0 : i32
      %dma_wait3A_377 = arith.constant 0 : i32
      %dma_wait3A_378 = tpu.memref_slice %arg3[%dma_wait3A_376, %dma_wait3A_377] : memref<1000000x32xf32, #tpu.memory_space<hbm>> -> memref<1000000x32xf32, #tpu.memory_space<hbm>>
      %dma_wait3A_379 = tpu.memref_slice %arg7[%dma_wait3A_368] : memref<5x!tpu.dma_semaphore, #tpu.memory_space<semaphore_mem>> -> memref<1x!tpu.dma_semaphore, #tpu.memory_space<semaphore_mem>>
      %dma_wait3A_380 = tpu.memref_squeeze %dma_wait3A_379 : memref<1x!tpu.dma_semaphore, #tpu.memory_space<semaphore_mem>> -> memref<!tpu.dma_semaphore, #tpu.memory_space<semaphore_mem>>
      tpu.wait_indirect_dma semaphore(%dma_wait3A_380 : memref<!tpu.dma_semaphore, #tpu.memory_space<semaphore_mem>>) src(%dma_wait3A_378 : memref<1000000x32xf32, #tpu.memory_space<hbm>>) dst(%dma_wait3A_372 : memref<512x32xf32, #tpu.memory_space<vmem>>)
      %mul3A_381 = arith.constant 32 : i32
      %mul3A_382 = arith.muli %add3A_357, %mul3A_381 : i32
      %mul3A_383 = arith.constant 512 : i32
      %mul3A_384 = arith.muli %mul3A_382, %mul3A_383 : i32
      %mul3A_385 = arith.constant 512 : i32
      %mul3A_386 = arith.muli %add3A, %mul3A_385 : i32
      %add3A_387 = arith.addi %mul3A_384, %mul3A_386 : i32
      %dma_start3A_388 = arith.constant 4 : i32
      %dma_start3A_389 = arith.constant 4 : i32
      %dma_start3A_390 = arith.constant 0 : i32
      %dma_start3A_391 = arith.constant 0 : i32
      %dma_start3A_392 = tpu.memref_slice %arg6[%dma_start3A_388, %dma_start3A_390, %dma_start3A_391] : memref<5x512x32xf32, #tpu.memory_space<vmem>> -> memref<1x512x32xf32, #tpu.memory_space<vmem>>
      %dma_start3A_393 = tpu.memref_squeeze %dma_start3A_392 : memref<1x512x32xf32, #tpu.memory_space<vmem>> -> memref<512x32xf32, #tpu.memory_space<vmem>>
      %dma_start3A_394 = arith.constant 0 : i32
      %dma_start3A_395 = tpu.memref_slice %arg4[%add3A_387, %dma_start3A_394] : memref<819200x32xf32, #tpu.memory_space<hbm>> -> memref<512x32xf32, #tpu.memory_space<hbm>>
      %dma_start3A_396 = tpu.memref_slice %arg8[%dma_start3A_389] : memref<5x!tpu.dma_semaphore, #tpu.memory_space<semaphore_mem>> -> memref<1x!tpu.dma_semaphore, #tpu.memory_space<semaphore_mem>>
      %dma_start3A_397 = tpu.memref_squeeze %dma_start3A_396 : memref<1x!tpu.dma_semaphore, #tpu.memory_space<semaphore_mem>> -> memref<!tpu.dma_semaphore, #tpu.memory_space<semaphore_mem>>
      %dma_start3A_398 = arith.constant 0 : i32
      %dma_start3A_399 = tpu.memref_slice %arg4[%add3A_387, %dma_start3A_398] : memref<819200x32xf32, #tpu.memory_space<hbm>> -> memref<512x32xf32, #tpu.memory_space<hbm>>
      %dma_start3A_400 = arith.constant 0 : i32
      %dma_start3A_401 = arith.constant 0 : i32
      %dma_start3A_402 = tpu.memref_slice %arg6[%dma_start3A_388, %dma_start3A_400, %dma_start3A_401] : memref<5x512x32xf32, #tpu.memory_space<vmem>> -> memref<1x512x32xf32, #tpu.memory_space<vmem>>
      %dma_start3A_403 = tpu.memref_squeeze %dma_start3A_402 : memref<1x512x32xf32, #tpu.memory_space<vmem>> -> memref<512x32xf32, #tpu.memory_space<vmem>>
      tpu.enqueue_dma source(%dma_start3A_403 : memref<512x32xf32, #tpu.memory_space<vmem>>) target(%dma_start3A_399 : memref<512x32xf32, #tpu.memory_space<hbm>>) target_semaphore(%dma_start3A_397 : memref<!tpu.dma_semaphore, #tpu.memory_space<semaphore_mem>>)
    }
    %scan3A_63 = arith.constant 10 : i32
    %mul3A_64 = arith.constant 512 : i32
    %mul3A_65 = arith.muli %add3A, %mul3A_64 : i32
    %add3A_66 = arith.constant 737280 : i32
    %add3A_67 = arith.addi %add3A_66, %mul3A_65 : i32
    %dma_wait3A = arith.constant 0 : i32
    %dma_wait3A_68 = arith.constant 0 : i32
    %dma_wait3A_69 = arith.constant 0 : i32
    %dma_wait3A_70 = arith.constant 0 : i32
    %dma_wait3A_71 = tpu.memref_slice %arg6[%dma_wait3A, %dma_wait3A_69, %dma_wait3A_70] : memref<5x512x32xf32, #tpu.memory_space<vmem>> -> memref<1x512x32xf32, #tpu.memory_space<vmem>>
    %dma_wait3A_72 = tpu.memref_squeeze %dma_wait3A_71 : memref<1x512x32xf32, #tpu.memory_space<vmem>> -> memref<512x32xf32, #tpu.memory_space<vmem>>
    %dma_wait3A_73 = arith.constant 0 : i32
    %dma_wait3A_74 = tpu.memref_slice %arg4[%add3A_67, %dma_wait3A_73] : memref<819200x32xf32, #tpu.memory_space<hbm>> -> memref<512x32xf32, #tpu.memory_space<hbm>>
    %dma_wait3A_75 = tpu.memref_slice %arg8[%dma_wait3A_68] : memref<5x!tpu.dma_semaphore, #tpu.memory_space<semaphore_mem>> -> memref<1x!tpu.dma_semaphore, #tpu.memory_space<semaphore_mem>>
    %dma_wait3A_76 = tpu.memref_squeeze %dma_wait3A_75 : memref<1x!tpu.dma_semaphore, #tpu.memory_space<semaphore_mem>> -> memref<!tpu.dma_semaphore, #tpu.memory_space<semaphore_mem>>
    %dma_wait3A_77 = arith.constant 0 : i32
    %dma_wait3A_78 = tpu.memref_slice %arg4[%add3A_67, %dma_wait3A_77] : memref<819200x32xf32, #tpu.memory_space<hbm>> -> memref<512x32xf32, #tpu.memory_space<hbm>>
    %dma_wait3A_79 = arith.constant 0 : i32
    %dma_wait3A_80 = arith.constant 0 : i32
    %dma_wait3A_81 = tpu.memref_slice %arg6[%dma_wait3A, %dma_wait3A_79, %dma_wait3A_80] : memref<5x512x32xf32, #tpu.memory_space<vmem>> -> memref<1x512x32xf32, #tpu.memory_space<vmem>>
    %dma_wait3A_82 = tpu.memref_squeeze %dma_wait3A_81 : memref<1x512x32xf32, #tpu.memory_space<vmem>> -> memref<512x32xf32, #tpu.memory_space<vmem>>
    tpu.wait_dma2 semaphore(%dma_wait3A_76 : memref<!tpu.dma_semaphore, #tpu.memory_space<semaphore_mem>>) src(%dma_wait3A_82 : memref<512x32xf32, #tpu.memory_space<vmem>>) dst(%dma_wait3A_78 : memref<512x32xf32, #tpu.memory_space<hbm>>)
    %mul3A_83 = arith.constant 512 : i32
    %mul3A_84 = arith.muli %add3A, %mul3A_83 : i32
    %add3A_85 = arith.constant 753664 : i32
    %add3A_86 = arith.addi %add3A_85, %mul3A_84 : i32
    %dma_wait3A_87 = arith.constant 1 : i32
    %dma_wait3A_88 = arith.constant 1 : i32
    %dma_wait3A_89 = arith.constant 0 : i32
    %dma_wait3A_90 = arith.constant 0 : i32
    %dma_wait3A_91 = tpu.memref_slice %arg6[%dma_wait3A_87, %dma_wait3A_89, %dma_wait3A_90] : memref<5x512x32xf32, #tpu.memory_space<vmem>> -> memref<1x512x32xf32, #tpu.memory_space<vmem>>
    %dma_wait3A_92 = tpu.memref_squeeze %dma_wait3A_91 : memref<1x512x32xf32, #tpu.memory_space<vmem>> -> memref<512x32xf32, #tpu.memory_space<vmem>>
    %dma_wait3A_93 = arith.constant 0 : i32
    %dma_wait3A_94 = tpu.memref_slice %arg4[%add3A_86, %dma_wait3A_93] : memref<819200x32xf32, #tpu.memory_space<hbm>> -> memref<512x32xf32, #tpu.memory_space<hbm>>
    %dma_wait3A_95 = tpu.memref_slice %arg8[%dma_wait3A_88] : memref<5x!tpu.dma_semaphore, #tpu.memory_space<semaphore_mem>> -> memref<1x!tpu.dma_semaphore, #tpu.memory_space<semaphore_mem>>
    %dma_wait3A_96 = tpu.memref_squeeze %dma_wait3A_95 : memref<1x!tpu.dma_semaphore, #tpu.memory_space<semaphore_mem>> -> memref<!tpu.dma_semaphore, #tpu.memory_space<semaphore_mem>>
    %dma_wait3A_97 = arith.constant 0 : i32
    %dma_wait3A_98 = tpu.memref_slice %arg4[%add3A_86, %dma_wait3A_97] : memref<819200x32xf32, #tpu.memory_space<hbm>> -> memref<512x32xf32, #tpu.memory_space<hbm>>
    %dma_wait3A_99 = arith.constant 0 : i32
    %dma_wait3A_100 = arith.constant 0 : i32
    %dma_wait3A_101 = tpu.memref_slice %arg6[%dma_wait3A_87, %dma_wait3A_99, %dma_wait3A_100] : memref<5x512x32xf32, #tpu.memory_space<vmem>> -> memref<1x512x32xf32, #tpu.memory_space<vmem>>
    %dma_wait3A_102 = tpu.memref_squeeze %dma_wait3A_101 : memref<1x512x32xf32, #tpu.memory_space<vmem>> -> memref<512x32xf32, #tpu.memory_space<vmem>>
    tpu.wait_dma2 semaphore(%dma_wait3A_96 : memref<!tpu.dma_semaphore, #tpu.memory_space<semaphore_mem>>) src(%dma_wait3A_102 : memref<512x32xf32, #tpu.memory_space<vmem>>) dst(%dma_wait3A_98 : memref<512x32xf32, #tpu.memory_space<hbm>>)
    %mul3A_103 = arith.constant 512 : i32
    %mul3A_104 = arith.muli %add3A, %mul3A_103 : i32
    %add3A_105 = arith.constant 770048 : i32
    %add3A_106 = arith.addi %add3A_105, %mul3A_104 : i32
    %dma_wait3A_107 = arith.constant 2 : i32
    %dma_wait3A_108 = arith.constant 2 : i32
    %dma_wait3A_109 = arith.constant 0 : i32
    %dma_wait3A_110 = arith.constant 0 : i32
    %dma_wait3A_111 = tpu.memref_slice %arg6[%dma_wait3A_107, %dma_wait3A_109, %dma_wait3A_110] : memref<5x512x32xf32, #tpu.memory_space<vmem>> -> memref<1x512x32xf32, #tpu.memory_space<vmem>>
    %dma_wait3A_112 = tpu.memref_squeeze %dma_wait3A_111 : memref<1x512x32xf32, #tpu.memory_space<vmem>> -> memref<512x32xf32, #tpu.memory_space<vmem>>
    %dma_wait3A_113 = arith.constant 0 : i32
    %dma_wait3A_114 = tpu.memref_slice %arg4[%add3A_106, %dma_wait3A_113] : memref<819200x32xf32, #tpu.memory_space<hbm>> -> memref<512x32xf32, #tpu.memory_space<hbm>>
    %dma_wait3A_115 = tpu.memref_slice %arg8[%dma_wait3A_108] : memref<5x!tpu.dma_semaphore, #tpu.memory_space<semaphore_mem>> -> memref<1x!tpu.dma_semaphore, #tpu.memory_space<semaphore_mem>>
    %dma_wait3A_116 = tpu.memref_squeeze %dma_wait3A_115 : memref<1x!tpu.dma_semaphore, #tpu.memory_space<semaphore_mem>> -> memref<!tpu.dma_semaphore, #tpu.memory_space<semaphore_mem>>
    %dma_wait3A_117 = arith.constant 0 : i32
    %dma_wait3A_118 = tpu.memref_slice %arg4[%add3A_106, %dma_wait3A_117] : memref<819200x32xf32, #tpu.memory_space<hbm>> -> memref<512x32xf32, #tpu.memory_space<hbm>>
    %dma_wait3A_119 = arith.constant 0 : i32
    %dma_wait3A_120 = arith.constant 0 : i32
    %dma_wait3A_121 = tpu.memref_slice %arg6[%dma_wait3A_107, %dma_wait3A_119, %dma_wait3A_120] : memref<5x512x32xf32, #tpu.memory_space<vmem>> -> memref<1x512x32xf32, #tpu.memory_space<vmem>>
    %dma_wait3A_122 = tpu.memref_squeeze %dma_wait3A_121 : memref<1x512x32xf32, #tpu.memory_space<vmem>> -> memref<512x32xf32, #tpu.memory_space<vmem>>
    tpu.wait_dma2 semaphore(%dma_wait3A_116 : memref<!tpu.dma_semaphore, #tpu.memory_space<semaphore_mem>>) src(%dma_wait3A_122 : memref<512x32xf32, #tpu.memory_space<vmem>>) dst(%dma_wait3A_118 : memref<512x32xf32, #tpu.memory_space<hbm>>)
    %mul3A_123 = arith.constant 512 : i32
    %mul3A_124 = arith.muli %add3A, %mul3A_123 : i32
    %add3A_125 = arith.constant 786432 : i32
    %add3A_126 = arith.addi %add3A_125, %mul3A_124 : i32
    %dma_wait3A_127 = arith.constant 3 : i32
    %dma_wait3A_128 = arith.constant 3 : i32
    %dma_wait3A_129 = arith.constant 0 : i32
    %dma_wait3A_130 = arith.constant 0 : i32
    %dma_wait3A_131 = tpu.memref_slice %arg6[%dma_wait3A_127, %dma_wait3A_129, %dma_wait3A_130] : memref<5x512x32xf32, #tpu.memory_space<vmem>> -> memref<1x512x32xf32, #tpu.memory_space<vmem>>
    %dma_wait3A_132 = tpu.memref_squeeze %dma_wait3A_131 : memref<1x512x32xf32, #tpu.memory_space<vmem>> -> memref<512x32xf32, #tpu.memory_space<vmem>>
    %dma_wait3A_133 = arith.constant 0 : i32
    %dma_wait3A_134 = tpu.memref_slice %arg4[%add3A_126, %dma_wait3A_133] : memref<819200x32xf32, #tpu.memory_space<hbm>> -> memref<512x32xf32, #tpu.memory_space<hbm>>
    %dma_wait3A_135 = tpu.memref_slice %arg8[%dma_wait3A_128] : memref<5x!tpu.dma_semaphore, #tpu.memory_space<semaphore_mem>> -> memref<1x!tpu.dma_semaphore, #tpu.memory_space<semaphore_mem>>
    %dma_wait3A_136 = tpu.memref_squeeze %dma_wait3A_135 : memref<1x!tpu.dma_semaphore, #tpu.memory_space<semaphore_mem>> -> memref<!tpu.dma_semaphore, #tpu.memory_space<semaphore_mem>>
    %dma_wait3A_137 = arith.constant 0 : i32
    %dma_wait3A_138 = tpu.memref_slice %arg4[%add3A_126, %dma_wait3A_137] : memref<819200x32xf32, #tpu.memory_space<hbm>> -> memref<512x32xf32, #tpu.memory_space<hbm>>
    %dma_wait3A_139 = arith.constant 0 : i32
    %dma_wait3A_140 = arith.constant 0 : i32
    %dma_wait3A_141 = tpu.memref_slice %arg6[%dma_wait3A_127, %dma_wait3A_139, %dma_wait3A_140] : memref<5x512x32xf32, #tpu.memory_space<vmem>> -> memref<1x512x32xf32, #tpu.memory_space<vmem>>
    %dma_wait3A_142 = tpu.memref_squeeze %dma_wait3A_141 : memref<1x512x32xf32, #tpu.memory_space<vmem>> -> memref<512x32xf32, #tpu.memory_space<vmem>>
    tpu.wait_dma2 semaphore(%dma_wait3A_136 : memref<!tpu.dma_semaphore, #tpu.memory_space<semaphore_mem>>) src(%dma_wait3A_142 : memref<512x32xf32, #tpu.memory_space<vmem>>) dst(%dma_wait3A_138 : memref<512x32xf32, #tpu.memory_space<hbm>>)
    %mul3A_143 = arith.constant 512 : i32
    %mul3A_144 = arith.muli %add3A, %mul3A_143 : i32
    %add3A_145 = arith.constant 802816 : i32
    %add3A_146 = arith.addi %add3A_145, %mul3A_144 : i32
    %dma_wait3A_147 = arith.constant 4 : i32
    %dma_wait3A_148 = arith.constant 4 : i32
    %dma_wait3A_149 = arith.constant 0 : i32
    %dma_wait3A_150 = arith.constant 0 : i32
    %dma_wait3A_151 = tpu.memref_slice %arg6[%dma_wait3A_147, %dma_wait3A_149, %dma_wait3A_150] : memref<5x512x32xf32, #tpu.memory_space<vmem>> -> memref<1x512x32xf32, #tpu.memory_space<vmem>>
    %dma_wait3A_152 = tpu.memref_squeeze %dma_wait3A_151 : memref<1x512x32xf32, #tpu.memory_space<vmem>> -> memref<512x32xf32, #tpu.memory_space<vmem>>
    %dma_wait3A_153 = arith.constant 0 : i32
    %dma_wait3A_154 = tpu.memref_slice %arg4[%add3A_146, %dma_wait3A_153] : memref<819200x32xf32, #tpu.memory_space<hbm>> -> memref<512x32xf32, #tpu.memory_space<hbm>>
    %dma_wait3A_155 = tpu.memref_slice %arg8[%dma_wait3A_148] : memref<5x!tpu.dma_semaphore, #tpu.memory_space<semaphore_mem>> -> memref<1x!tpu.dma_semaphore, #tpu.memory_space<semaphore_mem>>
    %dma_wait3A_156 = tpu.memref_squeeze %dma_wait3A_155 : memref<1x!tpu.dma_semaphore, #tpu.memory_space<semaphore_mem>> -> memref<!tpu.dma_semaphore, #tpu.memory_space<semaphore_mem>>
    %dma_wait3A_157 = arith.constant 0 : i32
    %dma_wait3A_158 = tpu.memref_slice %arg4[%add3A_146, %dma_wait3A_157] : memref<819200x32xf32, #tpu.memory_space<hbm>> -> memref<512x32xf32, #tpu.memory_space<hbm>>
    %dma_wait3A_159 = arith.constant 0 : i32
    %dma_wait3A_160 = arith.constant 0 : i32
    %dma_wait3A_161 = tpu.memref_slice %arg6[%dma_wait3A_147, %dma_wait3A_159, %dma_wait3A_160] : memref<5x512x32xf32, #tpu.memory_space<vmem>> -> memref<1x512x32xf32, #tpu.memory_space<vmem>>
    %dma_wait3A_162 = tpu.memref_squeeze %dma_wait3A_161 : memref<1x512x32xf32, #tpu.memory_space<vmem>> -> memref<512x32xf32, #tpu.memory_space<vmem>>
    tpu.wait_dma2 semaphore(%dma_wait3A_156 : memref<!tpu.dma_semaphore, #tpu.memory_space<semaphore_mem>>) src(%dma_wait3A_162 : memref<512x32xf32, #tpu.memory_space<vmem>>) dst(%dma_wait3A_158 : memref<512x32xf32, #tpu.memory_space<hbm>>)
    return
  }
}

</mosaic_0001>

<sc_bundles>
// kernel: kernel.3.cloned.1.call-start
scs
__scs_entry_jumppad:
0x0: {  	(pc) =	sbr.rel $0x88, $3  }
0x1: {  	(tag) =	ssettag $0x0;
	lr =	simm.s32 $0x1  }
0x2: {  	[smem:$0x3F9F] =	sst lr;
	_ =	strace $0xD0000000  }
0x3: {  	_ = 	snop  }
0x4: {  	_ = 	snop  }
0x5: {  	_ = 	snop  }
0x6: {  	_ = 	snop  }
0x7: {  	_ = 	snop  }
__scs_overlays_trampoline_lowered:
0x8: {  	[smem:$0x3FAE] =	sst s0  }
0x9: {  	[smem:$0x3FAF] =	sst s1  }
0xa: {  	[smem:$0x3FB0] =	sst s2  }
0xb: {  	[smem:$0x3FB1] =	sst s3  }
0xc: {  	[smem:$0x3FB2] =	sst s4  }
0xd: {  	[smem:$0x3FB3] =	sst s5  }
0xe: {  	[smem:$0x3FB4] =	sst s6  }
0xf: {  	[smem:$0x3FB5] =	sst s7  }
0x10: {  	[smem:$0x3FB6] =	sst s8  }
0x11: {  	[smem:$0x3FB7] =	sst s9;
	s0 =	simm.s32 @!p0 $0x0  }
0x12: {  	s1 =	sld [smem:$0x3F9D];
	s0 =	simm.s32 @p0 $0x1  }
0x13: {  	[smem:$0x3FB8] =	sst s0;
	s0 =	simm.s32 @!p1 $0x0  }
0x14: {  	s2 =	sld [smem:$0x3F9C];
	s0 =	simm.s32 @p1 $0x1  }
0x15: {  	[smem:$0x3FB9] =	sst s0;
	s0 =	simm.s32 @!p2 $0x0  }
0x16: {  	s3 =	sld [smem:$0x3FDB];
	s0 =	simm.s32 @p2 $0x1  }
0x17: {  	s4 =	simm.s32 $0x1BF5;
	[smem:$0x3FBB] =	sst s0  }
0x18: {  	s0 =	sld [smem:$0x3F9E];
	_ =	swait.ge [sflag:s4], $0x0  }
0x19: {  	s7 =	sld [smem:$0x3F9F]  }
0x1a: {  	s8 =	sadd.s32 $0xFFFFE003, lr  }
0x1b: {  	s9 =	sadd.s32 $0xFFFFFEF7, lr;
	s5 =	simm.s32 $0xFFFFFFFF;
	p2 =	slt.u32 s8, $0xFFFFF086  }
0x1c: {  	p1 =	slt.u32 s9, $0xF7A;
	s5 =	simm.s32 @!p2 $0x0  }
0x1d: {  	s5 =	simm.s32 @p1 $0x1;
	p0 =	seq.s32 s7, s2  }
0x1e: {  	s7 =	smul.u32 @!p0 $0xF7A, s2;
	p2 =	seq.s32 @!p0 s5, $0x0  }
0x1f: {  	s9 =	smul.u32 $0xF7A, s1;
	s8 =	simm.s32 @!p0 $0x1BF5;
	p2 =	por !p2, p0  }
0x20: {  	[sflag:s8] =	ssyncset.s32 @!p0 $0xFFFFF086;
	s6 =	sadd.s32 @!p0 s3, s7;
	s7 =	simm.s32 @!p0 $0x108  }
0x21: {  	s3 =	sadd.s32 s3, s9;
	s6 =	sadd.s32 @!p0 $0x88, s6;
	s7 =	simm.s32 @p2 $0x1082  }
0x22: {  	[simem:s7], [sflag:s8] =	dma.local @!p0 [hbm:s6], $0xF7A  }
0x23: {  	s9 =	sor.u32 $0xD0000000, s2;
	s6 =	simm.s32 $0x108;
	_ =	swait.ge @!p0 [sflag:s8], $0x0  }
0x24: {  	s3 =	sadd.s32 $0x88, s3;
	s6 =	simm.s32 @!p1 $0x1082;
	[sflag:s4] =	ssyncset.s32 $0xFFFFF086  }
0x25: {  	[simem:s6], [sflag:s4] =	dma.local [hbm:s3], $0xF7A  }
0x26: {  	[smem:$0x3F9F] =	sst s1;
	(tag) =	ssettag s2;
	_ =	strace s9  }
0x27: {  	s1 =	sld [smem:$0x3FAF]  }
0x28: {  	s2 =	sld [smem:$0x3FB0]  }
0x29: {  	s4 =	sld [smem:$0x3FB2]  }
0x2a: {  	p0 =	seq.s32 s5, $0x0;
	s5 =	sld [smem:$0x3FB3]  }
0x2b: {  	s6 =	sld [smem:$0x3FB4]  }
0x2c: {  	s7 =	sld [smem:$0x3FB5]  }
0x2d: {  	s3 =	simm.s32 $0x108;
	s8 =	sld [smem:$0x3FB6]  }
0x2e: {  	s3 =	simm.s32 @!p0 $0x1082;
	s9 =	sld [smem:$0x3FB7]  }
0x2f: {  	lr =	sadd.s32 s0, s3;
	s0 =	sld [smem:$0x3FAE]  }
0x30: {  	s3 =	sld [smem:$0x3FB1]  }
0x31: {  	[smem:$0x3FBA] =	sst s10  }
0x32: {  	s10 =	sld [smem:$0x3FB8];
	_ =	sdelay $0x3  }
0x33: {  	p0 =	seq.s32 s10, $0x1;
	s10 =	sld [smem:$0x3FBA];
	_ =	sdelay $0x3  }
0x34: {  	[smem:$0x3FBA] =	sst s10  }
0x35: {  	s10 =	sld [smem:$0x3FB9];
	_ =	sdelay $0x3  }
0x36: {  	p1 =	seq.s32 s10, $0x1;
	s10 =	sld [smem:$0x3FBA];
	_ =	sdelay $0x3  }
0x37: {  	[smem:$0x3FBA] =	sst s10  }
0x38: {  	s10 =	sld [smem:$0x3FBB]  }
0x39: {  	_ = 	snop;
	(pc) =	sbr.ind lr, $3  }
0x3a: {  	_ = 	snop  }
0x3b: {  	_ = 	snop  }
0x3c: {  	p2 =	seq.s32 s10, $0x1;
	s10 =	sld [smem:$0x3FBA]  }
0x3d: {  	_ =	shalt  }
0x3e: {  	_ =	shalt  }
0x3f: {  	_ =	shalt  }
0x40: {  	_ =	shalt  }
0x41: {  	_ =	shalt  }
0x42: {  	_ =	shalt  }
0x43: {  	_ =	shalt  }
0x44: {  	_ =	shalt  }
0x45: {  	_ =	shalt  }
0x46: {  	_ =	shalt  }
0x47: {  	_ =	shalt  }
0x48: {  	_ =	shalt  }
0x49: {  	_ =	shalt  }
0x4a: {  	_ =	shalt  }
0x4b: {  	_ =	shalt  }
0x4c: {  	_ =	shalt  }
0x4d: {  	_ =	shalt  }
0x4e: {  	_ =	shalt  }
0x4f: {  	_ =	shalt  }
0x50: {  	_ =	shalt  }
0x51: {  	_ =	shalt  }
0x52: {  	_ =	shalt  }
0x53: {  	_ =	shalt  }
0x54: {  	_ =	shalt  }
0x55: {  	_ =	shalt  }
0x56: {  	_ =	shalt  }
0x57: {  	_ =	shalt  }
0x58: {  	_ =	shalt  }
0x59: {  	_ =	shalt  }
0x5a: {  	_ =	shalt  }
0x5b: {  	_ =	shalt  }
0x5c: {  	_ =	shalt  }
0x5d: {  	_ =	shalt  }
0x5e: {  	_ =	shalt  }
0x5f: {  	_ =	shalt  }
0x60: {  	_ =	shalt  }
0x61: {  	_ =	shalt  }
0x62: {  	_ =	shalt  }
0x63: {  	_ =	shalt  }
0x64: {  	_ =	shalt  }
0x65: {  	_ =	shalt  }
0x66: {  	_ =	shalt  }
0x67: {  	_ =	shalt  }
0x68: {  	_ =	shalt  }
0x69: {  	_ =	shalt  }
0x6a: {  	_ =	shalt  }
0x6b: {  	_ =	shalt  }
0x6c: {  	_ =	shalt  }
0x6d: {  	_ =	shalt  }
0x6e: {  	_ =	shalt  }
0x6f: {  	_ =	shalt  }
0x70: {  	_ =	shalt  }
0x71: {  	_ =	shalt  }
0x72: {  	_ =	shalt  }
0x73: {  	_ =	shalt  }
0x74: {  	_ =	shalt  }
0x75: {  	_ =	shalt  }
0x76: {  	_ =	shalt  }
0x77: {  	_ =	shalt  }
0x78: {  	_ =	shalt  }
0x79: {  	_ =	shalt  }
0x7a: {  	_ =	shalt  }
0x7b: {  	_ =	shalt  }
0x7c: {  	_ =	shalt  }
0x7d: {  	_ =	shalt  }
0x7e: {  	_ =	shalt  }
0x7f: {  	_ =	shalt  }
0x80: {  	_ =	shalt  }
0x81: {  	_ =	shalt  }
0x82: {  	_ =	shalt  }
0x83: {  	_ =	shalt  }
0x84: {  	_ =	shalt  }
0x85: {  	_ =	shalt  }
0x86: {  	_ =	shalt  }
0x87: {  	_ =	shalt  }
.Lfunc_end0:
.L_simem_size_0:
called_computation.1_lowered:
.L_overlay_start_0:
0x88: {  	s2 =	sld [smem:$0x3FD9]  }
0x89: {  	s3 =	sld [smem:$0x3FFE];
	_ =	sdelay $0x1  }
0x8a: {  	s1 =	srdreg.scid  }
0x8b: {  	s0 =	sand.u32 $0x1, s1  }
0x8c: {  	s17 =	sshll.u32 s0, $0xA;
	s2 =	sadd.s32 s3, s2  }
0x8d: {  	s2 =	sadd.s32 s2, s17  }
0x8e: {  	[smem:$0x3FC6] =	sst s2  }
0x8f: {  	_ = 	snop  }
0x90: {  	s2 =	sld [smem:$0x3FD0];
	(tm) =	ssettm $0x1  }
0x91: {  	s18 =	sld [smem:$0x3FFB];
	_ =	sdelay $0x3  }
0x92: {  	_ =	strace s18  }
0x93: {  	s3 =	sld [smem:$0x3FFC];
	_ =	sdelay $0x3  }
0x94: {  	_ =	strace s3  }
0x95: {  	s3 =	sld [smem:$0x3FFD];
	_ =	sdelay $0x3  }
0x96: {  	_ =	strace s3  }
0x97: {  	_ =	strace $0x8FFFFFFF  }
0x98: {  	s19 =	sld [smem:$0x3FDB];
	_ =	sdelay $0x1  }
0x99: {  	s4 =	simm.s32 $_scs_section_size  }
0x9a: {  	s5 =	simm.s32 $_size__tile_overlayer_lowered;
	s6 =	simm.s32 $_tile_overlayer_lowered  }
0x9b: {  	s22 =	simm.s32 $0x1BFF;
	s21 =	sshll.u32 s6, $0x1;
	s3 =	sadd.s32 s4, s19  }
0x9c: {  	s7 =	simm.s32 $0x0;
	s20 =	sshll.u32 s5, $0x1;
	s5 =	sadd.s32 s21, s3  }
0x9d: {  	[timem:s7], [sflag:s22] =	dma.local [hbm:s5], s20  }
0x9e: {  	_ =	swait.ge [sflag:s22], s20  }
0x9f: {  	s4 =	ssub.s32 $0x0, s20;
	[sflag:s22] =	ssyncset.done $0x0  }
0xa0: {  	[sflag:s22] =	ssyncadd.s32 s4;
	_ =	sdelay $0x1  }
0xa1: {  	s23 =	simm.s32 $0x1B8B  }
0xa2: {  	_ =	swait.ge [sflag:s23], $0x1  }
0xa3: {  	[sflag:s23] =	ssyncset.done $0x0  }
0xa4: {  	s25 =	simm.s32 $0x1B8E;
	s24 =	sld [smem:$0x3FFE];
	[sflag:s23] =	ssyncadd.s32 $0xFFFFFFFF  }
0xa5: {  	s26 =	simm.s32 $execute0_lowered;
	[smem:$0x3FD2] =	sst s25  }
0xa6: {  	s5 =	sshll.u32 s26, $0x1;
	_ =	strace $0x80000046;
	[dreg:$0x1] =	wrdreg $0xFFFFFFFF  }
0xa7: {  	s28 =	simm.s32 $_size_execute0_lowered;
	s3 =	sadd.s32 s3, s5;
	[dreg:$0x0] =	wrdreg $0x0  }
0xa8: {  	s5 =	sshll.u32 s28, $0x1;
	[dreg:$0x2] =	wrdreg s3  }
0xa9: {  	[dreg:$0x3] =	wrdreg s5  }
0xaa: {  	[dreg:$0x4] =	wrdreg $0xC0  }
0xab: {  	_ =	task [dreg:s7], $0x5FFFF  }
0xac: {  	[dreg:$0x1] =	wrdreg $0xFFFFFFFF  }
0xad: {  	[dreg:$0x0] =	wrdreg $0x60  }
0xae: {  	[dreg:$0x2] =	wrdreg s24  }
0xaf: {  	[dreg:$0x3] =	wrdreg s2  }
0xb0: {  	[dreg:$0x4] =	wrdreg $0x9  }
0xb1: {  	_ =	task.clear_ibuf [dreg:s7], $0x5FFFF;
	_ =	strace $0x90000046  }
0xb2: {  	s29 =	simm.s32 $0x9;
	_ =	strace $0x80000048  }
0xb3: {  	_ =	swait.ge [sflag:s29], $0x1  }
0xb4: {  	[sflag:s29] =	ssyncadd.s32 $0xFFFFFFFF  }
0xb5: {  	_ =	strace $0x90000048  }
0xb6: {  	_ =	sfence  }
0xb7: {  	s30 =	sld [smem:$0x0];
	_ =	sdelay $0x2  }
0xb8: {  	s31 =	sshll.u32 s1, $0xD;
	s1 =	sshrl.u32 s1, $0x2  }
0xb9: {  	s3 =	sand.u32 $0x4000, s31;
	s1 =	sadd.s32 s1, s30  }
0xba: {  	s0 =	sor.u32 s3, s0;
	s1 =	sshll.u32 s1, $0x11  }
0xbb: {  	s0 =	sor.u32 s1, s0  }
0xbc: {  	s0 =	sadd.s32 $0x8F2B, s0  }
0xbd: {  	[sflag:s0] =	ssyncadd.remote.s32 $0x1  }
0xbe: {  	_ =	sfence.sel $0xFFFF  }
0xbf: {  	[dreg:$0x0] =	wrdreg $0xFFFFFFFF;
	(pc) =	sbr.abs _section_cstart, $3  }
0xc0: {  	[dreg:$0x1] =	wrdreg $0xFFFFFFFF  }
0xc1: {  	_ =	task.clear_ibuf [dreg:s7], $0x2FFFF;
	_ =	strace $0x9FFFFFFF  }
0xc2: {  	(tm) =	ssettm $0x7FFFFFFF  }
0xc3: {  	_ =	shalt  }
tec
execute0_lowered:
.L_overlay_start_1:
0x0: {  	(tag) =	ssettag $0x1  }
0x1: {  	s0 =	rddreg [dreg:$0x0]  }
0x2: {  	s1 =	rddreg [dreg:$0x1]  }
0x3: {  	s2 =	srdreg.scid;
	s9 =	stileid.u32  }
0x4: {  	s10 =	simm.s32 $0x6400;
	s13 =	simm.s32 $0xE400;
	s16 =	simm.s32 $0x16400  }
0x5: {  	s17 =	simm.s32 $0x1;
	s18 =	simm.s32 $0x3;
	s19 =	simm.s32 $0x5  }
0x6: {  	s21 =	simm.s32 $0x7;
	s22 =	simm.s32 $0x8;
	s23 =	simm.s32 $0x9  }
0x7: {  	s24 =	simm.s32 $0xA;
	s25 =	simm.s32 $0x0;
	s6 =	sand.u32 $0x1, s2  }
0x8: {  	s2 =	simm.s32 $0x0;
	s3 =	sshll.u32 s9, $0xA;
	s4 =	sshll.u32 s6, $0x9  }
0x9: {  	s30 =	sshll.u32 s9, $0xC;
	[smem:$0x7FF] =	sst s2;
	s3 =	sor.u32 s4, s3  }
0xa: {  	s5 =	ssub.s32 $0x2, s6;
	_ =	strace $0x80000047;
	s4 =	sshrl.u32 s3, $0x3  }
0xb: {  	s29 =	sshrl.u32 s5, $0x1;
	s7 =	sshll.u32 s3, $0x2;
	s4 =	sadd.s32 s4, s0  }
0xc: {  	s3 =	sadd.s32 $0xF42E00, s0;
	s0 =	ssub.s32 s5, s29;
	s4 =	sadd.s32 $0xA00, s4  }
0xd: {  	s7 =	sadd.s32 s7, s1;
	s0 =	smax.u32 s0, $0x1;
	[dreg:$0x5] =	wrdreg s4  }
0xe: {  	s31 =	sshll.u32 s6, $0xB;
	s8 =	sadd.s32 $0x2E0000, s7;
	[dreg:$0x6] =	wrdreg s0  }
0xf: {  	s7 =	sadd.s32 $0x300000, s7;
	[dreg:$0x3] =	wrdreg s8;
	s0 =	sadd.s32 s30, s1  }
0x10: {  	[dreg:$0x4] =	wrdreg s7;
	s7 =	simm.s32 $0x200;
	s6 =	sadd.s32 s31, s0  }
.LBB2_1:
0x11: {  	s0 =	rddreg [dreg:$0x5];
	s1 =	simm.s32 $0x4000;
	s9 =	simm.s32 $0xB  }
0x12: {  	[tilespmem:s2], [sflag:$0xB] =	stream.strided.gather [hbm4b:s0+s7], $0x6400, s1, s7, $0x38;
	[tilespmem:$0x1A400] =	vst v63  }
0x13: {  	_ =	swait.ge [sflag:s9], $0x6400  }
0x14: {  	[sflag:s9] =	ssyncset.done $0x0  }
0x15: {  	[sflag:s9] =	ssyncadd.s32 $0xFFFF9C00  }
0x16: {  	[tilespmem:s10], [sflag:$0x1] =	stream.indirect.gather [hbm4b:s3+s7], $0x20, s2, s7, $0xb8;
	[tilespmem:$0x1A400] =	vst v63  }
0x17: {  	s11 =	simm.s32 $0xA400  }
0x18: {  	[tilespmem:s11], [sflag:$0x2] =	stream.indirect.gather [hbm4b:s3+s7], $0x20, s7, s7, $0xb8;
	[tilespmem:$0x1A400] =	vst v63  }
0x19: {  	s12 =	simm.s32 $0x400;
	p0 =	por $0x1, $0x1  }
0x1a: {  	[tilespmem:s13], [sflag:$0x3] =	stream.indirect.gather [hbm4b:s3+s7], $0x20, s12, s7, $0xb8;
	[tilespmem:$0x1A400] =	vst v63  }
0x1b: {  	s14 =	simm.s32 $0x600;
	s15 =	simm.s32 $0x12400;
	s0 =	simm.s32 @!p0 $0xA  }
0x1c: {  	[tilespmem:s15], [sflag:$0x4] =	stream.indirect.gather [hbm4b:s3+s7], $0x20, s14, s7, $0xb8;
	[tilespmem:$0x1A400] =	vst v63  }
0x1d: {  	_ =	swait.ge @!p0 [sflag:s0], $0x4000  }
0x1e: {  	[sflag:s0] =	ssyncset.done @!p0 $0x0  }
0x1f: {  	s20 =	simm.s32 $0x800;
	[sflag:s0] =	ssyncadd.s32 @!p0 $0xFFFFC000  }
0x20: {  	[tilespmem:s16], [sflag:$0x5] =	stream.indirect.gather [hbm4b:s3+s7], $0x20, s20, s7, $0xb8;
	[tilespmem:$0x1A400] =	vst v63  }
0x21: {  	_ =	swait.ge [sflag:s17], $0x4000  }
0x22: {  	p0 =	por $0x0, $0x0;
	[sflag:s17] =	ssyncset.done $0x0  }
0x23: {  	s0 =	simm.s32 @p0 $0x2;
	[sflag:s17] =	ssyncadd.s32 $0xFFFFC000  }
0x24: {  	[hbm4b:s6+s2] =	stream.linear.scatter [tilespmem:s10], [sflag:$0x6], $0x4000, $0x38;
	[tilespmem:$0x1A400] =	vst v63  }
0x25: {  	_ =	swait.ge @p0 [sflag:s0], $0x4000  }
0x26: {  	s8 =	simm.s32 @p0 $0xA400;
	s11 =	simm.s32 @!p0 $0x6;
	[sflag:s0] =	ssyncset.done @p0 $0x0  }
0x27: {  	s1 =	rddreg [dreg:$0x3];
	[sflag:s0] =	ssyncadd.s32 @p0 $0xFFFFC000;
	s0 =	simm.s32 @p0 $0x0  }
0x28: {  	[hbm4b:s1+s0] =	stream.linear.scatter @p0 [tilespmem:s8], [sflag:$0x7], $0x4000, $0x38;
	[tilespmem:$0x1A400] =	vst v63  }
0x29: {  	_ =	swait.ge @!p0 [sflag:s11], $0x4000  }
0x2a: {  	s26 =	simm.s32 @!p0 $0x6400;
	s1 =	simm.s32 @!p0 $0xA00;
	[sflag:s11] =	ssyncset.done @!p0 $0x0  }
0x2b: {  	s8 =	simm.s32 @!p0 $0x200;
	[sflag:s11] =	ssyncadd.s32 @!p0 $0xFFFFC000;
	s11 =	simm.s32 @!p0 $0x2  }
0x2c: {  	[tilespmem:s26], [sflag:$0x1] =	stream.indirect.gather @!p0 [hbm4b:s3+s8], $0x20, s1, s8, $0xb8;
	[tilespmem:$0x1A400] =	vst v63  }
0x2d: {  	_ =	swait.ge @!p0 [sflag:s11], $0x4000  }
0x2e: {  	s28 =	simm.s32 @!p0 $0x0;
	s1 =	simm.s32 @!p0 $0xA400;
	[sflag:s11] =	ssyncset.done @!p0 $0x0  }
0x2f: {  	s26 =	sadd.s32 @!p0 $0x10000, s6;
	[sflag:s11] =	ssyncadd.s32 @!p0 $0xFFFFC000;
	s11 =	simm.s32 @!p0 $0x7  }
0x30: {  	[hbm4b:s26+s28] =	stream.linear.scatter @!p0 [tilespmem:s1], [sflag:$0x7], $0x4000, $0x38;
	[tilespmem:$0x1A400] =	vst v63  }
0x31: {  	_ =	swait.ge @!p0 [sflag:s11], $0x4000  }
0x32: {  	[sflag:s11] =	ssyncset.done @!p0 $0x0  }
0x33: {  	s26 =	simm.s32 @!p0 $0xC00;
	[sflag:s11] =	ssyncadd.s32 @!p0 $0xFFFFC000  }
0x34: {  	[tilespmem:s1], [sflag:$0x2] =	stream.indirect.gather @!p0 [hbm4b:s3+s8], $0x20, s26, s8, $0xb8;
	[tilespmem:$0x1A400] =	vst v63  }
0x35: {  	_ =	swait.ge [sflag:s18], $0x4000  }
0x36: {  	[sflag:s18] =	ssyncset.done $0x0  }
0x37: {  	s11 =	simm.s32 @p0 $0x4;
	s26 =	sadd.s32 $0x20000, s6;
	[sflag:s18] =	ssyncadd.s32 $0xFFFFC000  }
0x38: {  	[hbm4b:s26+s2] =	stream.linear.scatter [tilespmem:s13], [sflag:$0x8], $0x4000, $0x38;
	[tilespmem:$0x1A400] =	vst v63  }
0x39: {  	_ =	swait.ge @p0 [sflag:s11], $0x4000  }
0x3a: {  	s26 =	simm.s32 @!p0 $0x8;
	[sflag:s11] =	ssyncset.done @p0 $0x0  }
0x3b: {  	s1 =	rddreg [dreg:$0x4];
	[sflag:s11] =	ssyncadd.s32 @p0 $0xFFFFC000;
	s11 =	simm.s32 @p0 $0x12400  }
0x3c: {  	[hbm4b:s1+s0] =	stream.linear.scatter @p0 [tilespmem:s11], [sflag:$0x9], $0x4000, $0x38;
	[tilespmem:$0x1A400] =	vst v63  }
0x3d: {  	_ =	swait.ge @!p0 [sflag:s26], $0x4000  }
0x3e: {  	s0 =	simm.s32 @!p0 $0xE00;
	[sflag:s26] =	ssyncset.done @!p0 $0x0  }
0x3f: {  	s1 =	simm.s32 @!p0 $0xE400;
	s11 =	simm.s32 @!p0 $0x4;
	[sflag:s26] =	ssyncadd.s32 @!p0 $0xFFFFC000  }
0x40: {  	[tilespmem:s1], [sflag:$0x3] =	stream.indirect.gather @!p0 [hbm4b:s3+s8], $0x20, s0, s8, $0xb8;
	[tilespmem:$0x1A400] =	vst v63  }
0x41: {  	_ =	swait.ge @!p0 [sflag:s11], $0x4000  }
0x42: {  	s0 =	sadd.s32 @!p0 $0x30000, s6;
	[sflag:s11] =	ssyncset.done @!p0 $0x0  }
0x43: {  	s1 =	simm.s32 @!p0 $0x12400;
	[sflag:s11] =	ssyncadd.s32 @!p0 $0xFFFFC000;
	s11 =	simm.s32 @!p0 $0x9  }
0x44: {  	[hbm4b:s0+s28] =	stream.linear.scatter @!p0 [tilespmem:s1], [sflag:$0x9], $0x4000, $0x38;
	[tilespmem:$0x1A400] =	vst v63  }
0x45: {  	s29 =	simm.s32 $0x2800;
	s30 =	sadd.s32 $0x40000, s6;
	_ =	swait.ge @!p0 [sflag:s11], $0x4000  }
0x46: {  	s31 =	simm.s32 $0x5000;
	p1 =	por $0x0, $0x0;
	[sflag:s11] =	ssyncset.done @!p0 $0x0  }
0x47: {  	s28 =	sadd.s32 $0x50000, s6;
	s0 =	simm.s32 @!p0 $0x1000;
	[sflag:s11] =	ssyncadd.s32 @!p0 $0xFFFFC000  }
0x48: {  	[tilespmem:s1], [sflag:$0x4] =	stream.indirect.gather @!p0 [hbm4b:s3+s8], $0x20, s0, s8, $0xb8;
	[tilespmem:$0x1A400] =	vst v63  }
0x49: {  	s26 =	sadd.s32 $0x40000, s28;
	s0 =	sadd.s32 $0x50000, s28;
	_ =	swait.ge [sflag:s19], $0x4000  }
.LBB2_2:
0x4a: {  	[sflag:s19] =	ssyncset.done $0x0  }
0x4b: {  	s1 =	simm.s32 @!p1 $0xA;
	[sflag:s19] =	ssyncadd.s32 $0xFFFFC000  }
0x4c: {  	[hbm4b:s30+s2] =	stream.linear.scatter [tilespmem:s16], [sflag:$0xA], $0x4000, $0x38;
	[tilespmem:$0x1A400] =	vst v63  }
0x4d: {  	_ =	swait.ge @!p1 [sflag:s1], $0x4000  }
0x4e: {  	s12 =	sshra.s32 s29, $0x2;
	[sflag:s1] =	ssyncset.done @!p1 $0x0  }
0x4f: {  	s12 =	sadd.s32 $0x800, s12;
	[sflag:s1] =	ssyncadd.s32 @!p1 $0xFFFFC000  }
0x50: {  	[tilespmem:s16], [sflag:$0x5] =	stream.indirect.gather [hbm4b:s3+s7], $0x20, s12, s7, $0xb8;
	[tilespmem:$0x1A400] =	vst v63  }
0x51: {  	s8 =	smov.u32 s31;
	_ =	swait.ge [sflag:s17], $0x4000  }
0x52: {  	s11 =	sadd.s32 $0x40000, s0;
	p1 =	seq.s32 s29, $0x16800;
	[sflag:s17] =	ssyncset.done $0x0  }
0x53: {  	s30 =	smov.u32 s26;
	s1 =	simm.s32 @p1 $0x2;
	[sflag:s17] =	ssyncadd.s32 $0xFFFFC000  }
0x54: {  	[hbm4b:s28+s2] =	stream.linear.scatter [tilespmem:s10], [sflag:$0x6], $0x4000, $0x38;
	[tilespmem:$0x1A400] =	vst v63  }
0x55: {  	s26 =	smov.u32 s11;
	s12 =	sshra.s32 @!p1 s29, $0x2;
	_ =	swait.ge @p1 [sflag:s1], $0x4000  }
0x56: {  	s5 =	simm.s32 @p1 $0x0;
	s9 =	simm.s32 @p1 $0xA400;
	[sflag:s1] =	ssyncset.done @p1 $0x0  }
0x57: {  	s20 =	simm.s32 @!p1 $0x6;
	s4 =	rddreg [dreg:$0x3];
	[sflag:s1] =	ssyncadd.s32 @p1 $0xFFFFC000  }
0x58: {  	[hbm4b:s4+s5] =	stream.linear.scatter @p1 [tilespmem:s9], [sflag:$0x7], $0x4000, $0x38;
	[tilespmem:$0x1A400] =	vst v63  }
0x59: {  	s29 =	smov.u32 s8;
	s8 =	simm.s32 @!p1 $0x200;
	_ =	swait.ge @!p1 [sflag:s20], $0x4000  }
0x5a: {  	s14 =	sadd.s32 @!p1 $0xA00, s12;
	s15 =	sadd.s32 @!p1 $0xC00, s12;
	[sflag:s20] =	ssyncset.done @!p1 $0x0  }
0x5b: {  	s4 =	simm.s32 @!p1 $0x6400;
	s9 =	simm.s32 @!p1 $0x2;
	[sflag:s20] =	ssyncadd.s32 @!p1 $0xFFFFC000  }
0x5c: {  	[tilespmem:s4], [sflag:$0x1] =	stream.indirect.gather @!p1 [hbm4b:s3+s8], $0x20, s14, s8, $0xb8;
	[tilespmem:$0x1A400] =	vst v63  }
0x5d: {  	s11 =	sadd.s32 @!p1 $0xE00, s12;
	s1 =	sadd.s32 @!p1 $0x1000, s12;
	_ =	swait.ge @!p1 [sflag:s9], $0x4000  }
0x5e: {  	s12 =	sadd.s32 @!p1 $0x10000, s28;
	s4 =	simm.s32 @!p1 $0xA400;
	[sflag:s9] =	ssyncset.done @!p1 $0x0  }
0x5f: {  	s14 =	simm.s32 @!p1 $0x0;
	[sflag:s9] =	ssyncadd.s32 @!p1 $0xFFFFC000;
	s9 =	simm.s32 @!p1 $0x7  }
0x60: {  	[hbm4b:s12+s14] =	stream.linear.scatter @!p1 [tilespmem:s4], [sflag:$0x7], $0x4000, $0x38;
	[tilespmem:$0x1A400] =	vst v63  }
0x61: {  	_ =	swait.ge @!p1 [sflag:s9], $0x4000  }
0x62: {  	[sflag:s9] =	ssyncset.done @!p1 $0x0  }
0x63: {  	[sflag:s9] =	ssyncadd.s32 @!p1 $0xFFFFC000  }
0x64: {  	[tilespmem:s4], [sflag:$0x2] =	stream.indirect.gather @!p1 [hbm4b:s3+s8], $0x20, s15, s8, $0xb8;
	[tilespmem:$0x1A400] =	vst v63  }
0x65: {  	_ =	swait.ge [sflag:s18], $0x4000  }
0x66: {  	[sflag:s18] =	ssyncset.done $0x0  }
0x67: {  	s20 =	sadd.s32 $0x20000, s28;
	s9 =	simm.s32 @p1 $0x4;
	[sflag:s18] =	ssyncadd.s32 $0xFFFFC000  }
0x68: {  	[hbm4b:s20+s2] =	stream.linear.scatter [tilespmem:s13], [sflag:$0x8], $0x4000, $0x38;
	[tilespmem:$0x1A400] =	vst v63  }
0x69: {  	_ =	swait.ge @p1 [sflag:s9], $0x4000  }
0x6a: {  	s12 =	simm.s32 @!p1 $0x8;
	[sflag:s9] =	ssyncset.done @p1 $0x0  }
0x6b: {  	s4 =	rddreg [dreg:$0x4];
	[sflag:s9] =	ssyncadd.s32 @p1 $0xFFFFC000;
	s9 =	simm.s32 @p1 $0x12400  }
0x6c: {  	[hbm4b:s4+s5] =	stream.linear.scatter @p1 [tilespmem:s9], [sflag:$0x9], $0x4000, $0x38;
	[tilespmem:$0x1A400] =	vst v63  }
0x6d: {  	_ =	swait.ge @!p1 [sflag:s12], $0x4000  }
0x6e: {  	[sflag:s12] =	ssyncset.done @!p1 $0x0  }
0x6f: {  	s4 =	simm.s32 @!p1 $0xE400;
	s5 =	simm.s32 @!p1 $0x4;
	[sflag:s12] =	ssyncadd.s32 @!p1 $0xFFFFC000  }
0x70: {  	[tilespmem:s4], [sflag:$0x3] =	stream.indirect.gather @!p1 [hbm4b:s3+s8], $0x20, s11, s8, $0xb8;
	[tilespmem:$0x1A400] =	vst v63  }
0x71: {  	s31 =	sadd.s32 $0x2800, s31;
	_ =	swait.ge @!p1 [sflag:s5], $0x4000  }
0x72: {  	p0 =	sne.s32 s31, $0x19000;
	s9 =	simm.s32 @!p1 $0x12400;
	[sflag:s5] =	ssyncset.done @!p1 $0x0  }
0x73: {  	s4 =	sadd.s32 @!p1 $0x30000, s28;
	[sflag:s5] =	ssyncadd.s32 @!p1 $0xFFFFC000;
	s5 =	simm.s32 @!p1 $0x9  }
0x74: {  	[hbm4b:s4+s14] =	stream.linear.scatter @!p1 [tilespmem:s9], [sflag:$0x9], $0x4000, $0x38;
	[tilespmem:$0x1A400] =	vst v63  }
.Ltmp0:
0x75: {  	_ =	swait.ge @!p1 [sflag:s5], $0x4000;
	(pc) =	sbr.rel @p0 .LBB2_2-.Ltmp0, $4  }
0x76: {  	[sflag:s5] =	ssyncset.done @!p1 $0x0  }
0x77: {  	s28 =	smov.u32 s0;
	[sflag:s5] =	ssyncadd.s32 @!p1 $0xFFFFC000  }
0x78: {  	[tilespmem:s9], [sflag:$0x4] =	stream.indirect.gather @!p1 [hbm4b:s3+s8], $0x20, s1, s8, $0xb8;
	[tilespmem:$0x1A400] =	vst v63  }
0x79: {  	s0 =	sadd.s32 $0x50000, s0;
	p1 =	seq.s32 s29, $0x0;
	_ =	swait.ge [sflag:s19], $0x4000  }
0x7a: {  	[sflag:s19] =	ssyncset.done $0x0  }
0x7b: {  	s0 =	simm.s32 @!p1 $0xA;
	[sflag:s19] =	ssyncadd.s32 $0xFFFFC000  }
0x7c: {  	[hbm4b:s30+s2] =	stream.linear.scatter [tilespmem:s16], [sflag:$0xA], $0x4000, $0x38;
	[tilespmem:$0x1A400] =	vst v63  }
0x7d: {  	_ =	swait.ge @!p1 [sflag:s0], $0x4000  }
0x7e: {  	s1 =	sshra.s32 s29, $0x2;
	[sflag:s0] =	ssyncset.done @!p1 $0x0  }
0x7f: {  	s1 =	sadd.s32 $0x800, s1;
	[sflag:s0] =	ssyncadd.s32 @!p1 $0xFFFFC000  }
0x80: {  	[tilespmem:s16], [sflag:$0x5] =	stream.indirect.gather [hbm4b:s3+s7], $0x20, s1, s7, $0xb8;
	[tilespmem:$0x1A400] =	vst v63  }
0x81: {  	_ =	swait.ge [sflag:s17], $0x4000  }
0x82: {  	p0 =	seq.s32 s29, $0x16800;
	[sflag:s17] =	ssyncset.done $0x0  }
0x83: {  	s0 =	simm.s32 @p0 $0x2;
	[sflag:s17] =	ssyncadd.s32 $0xFFFFC000  }
0x84: {  	[hbm4b:s28+s2] =	stream.linear.scatter [tilespmem:s10], [sflag:$0x6], $0x4000, $0x38;
	[tilespmem:$0x1A400] =	vst v63  }
0x85: {  	_ =	swait.ge @p0 [sflag:s0], $0x4000  }
0x86: {  	s4 =	simm.s32 @p0 $0xA400;
	s5 =	simm.s32 @!p0 $0x6;
	[sflag:s0] =	ssyncset.done @p0 $0x0  }
0x87: {  	s1 =	rddreg [dreg:$0x3];
	[sflag:s0] =	ssyncadd.s32 @p0 $0xFFFFC000;
	s0 =	simm.s32 @p0 $0x0  }
0x88: {  	[hbm4b:s1+s0] =	stream.linear.scatter @p0 [tilespmem:s4], [sflag:$0x7], $0x4000, $0x38;
	[tilespmem:$0x1A400] =	vst v63  }
0x89: {  	s8 =	simm.s32 @!p0 $0x200;
	_ =	swait.ge @!p0 [sflag:s5], $0x4000  }
0x8a: {  	s9 =	simm.s32 @!p0 $0x6400;
	s1 =	sshra.s32 @!p0 s29, $0x2;
	[sflag:s5] =	ssyncset.done @!p0 $0x0  }
0x8b: {  	s4 =	sadd.s32 @!p0 $0xA00, s1;
	[sflag:s5] =	ssyncadd.s32 @!p0 $0xFFFFC000;
	s5 =	simm.s32 @!p0 $0x2  }
0x8c: {  	[tilespmem:s9], [sflag:$0x1] =	stream.indirect.gather @!p0 [hbm4b:s3+s8], $0x20, s4, s8, $0xb8;
	[tilespmem:$0x1A400] =	vst v63  }
0x8d: {  	_ =	swait.ge @!p0 [sflag:s5], $0x4000  }
0x8e: {  	s4 =	simm.s32 @!p0 $0xA400;
	[sflag:s5] =	ssyncset.done @!p0 $0x0  }
0x8f: {  	s9 =	sadd.s32 @!p0 $0x10000, s28;
	[sflag:s5] =	ssyncadd.s32 @!p0 $0xFFFFC000;
	s5 =	simm.s32 @!p0 $0x0  }
0x90: {  	[hbm4b:s9+s5] =	stream.linear.scatter @!p0 [tilespmem:s4], [sflag:$0x7], $0x4000, $0x38;
	[tilespmem:$0x1A400] =	vst v63  }
0x91: {  	s9 =	simm.s32 @!p0 $0x7  }
0x92: {  	_ =	swait.ge @!p0 [sflag:s9], $0x4000  }
0x93: {  	[sflag:s9] =	ssyncset.done @!p0 $0x0  }
0x94: {  	[sflag:s9] =	ssyncadd.s32 @!p0 $0xFFFFC000;
	s9 =	sadd.s32 @!p0 $0xC00, s1  }
0x95: {  	[tilespmem:s4], [sflag:$0x2] =	stream.indirect.gather @!p0 [hbm4b:s3+s8], $0x20, s9, s8, $0xb8;
	[tilespmem:$0x1A400] =	vst v63  }
0x96: {  	_ =	swait.ge [sflag:s18], $0x4000  }
0x97: {  	[sflag:s18] =	ssyncset.done $0x0  }
0x98: {  	s29 =	sadd.s32 $0x20000, s28;
	s9 =	simm.s32 @p0 $0x4;
	[sflag:s18] =	ssyncadd.s32 $0xFFFFC000  }
0x99: {  	[hbm4b:s29+s2] =	stream.linear.scatter [tilespmem:s13], [sflag:$0x8], $0x4000, $0x38;
	[tilespmem:$0x1A400] =	vst v63  }
0x9a: {  	_ =	swait.ge @p0 [sflag:s9], $0x4000  }
0x9b: {  	[sflag:s9] =	ssyncset.done @p0 $0x0  }
0x9c: {  	s4 =	rddreg [dreg:$0x4];
	[sflag:s9] =	ssyncadd.s32 @p0 $0xFFFFC000;
	s9 =	simm.s32 @p0 $0x12400  }
0x9d: {  	[hbm4b:s4+s0] =	stream.linear.scatter @p0 [tilespmem:s9], [sflag:$0x9], $0x4000, $0x38;
	[tilespmem:$0x1A400] =	vst v63  }
0x9e: {  	s0 =	simm.s32 @!p0 $0x8  }
0x9f: {  	_ =	swait.ge @!p0 [sflag:s0], $0x4000  }
0xa0: {  	[sflag:s0] =	ssyncset.done @!p0 $0x0  }
0xa1: {  	s4 =	sadd.s32 @!p0 $0xE00, s1;
	[sflag:s0] =	ssyncadd.s32 @!p0 $0xFFFFC000;
	s0 =	simm.s32 @!p0 $0xE400  }
0xa2: {  	[tilespmem:s0], [sflag:$0x3] =	stream.indirect.gather @!p0 [hbm4b:s3+s8], $0x20, s4, s8, $0xb8;
	[tilespmem:$0x1A400] =	vst v63  }
0xa3: {  	s0 =	simm.s32 @!p0 $0x4  }
0xa4: {  	_ =	swait.ge @!p0 [sflag:s0], $0x4000  }
0xa5: {  	[sflag:s0] =	ssyncset.done @!p0 $0x0  }
0xa6: {  	s4 =	sadd.s32 @!p0 $0x30000, s28;
	[sflag:s0] =	ssyncadd.s32 @!p0 $0xFFFFC000;
	s0 =	simm.s32 @!p0 $0x12400  }
0xa7: {  	[hbm4b:s4+s5] =	stream.linear.scatter @!p0 [tilespmem:s0], [sflag:$0x9], $0x4000, $0x38;
	[tilespmem:$0x1A400] =	vst v63  }
0xa8: {  	s4 =	simm.s32 @!p0 $0x9  }
0xa9: {  	_ =	swait.ge @!p0 [sflag:s4], $0x4000  }
0xaa: {  	[sflag:s4] =	ssyncset.done @!p0 $0x0  }
0xab: {  	s1 =	sadd.s32 @!p0 $0x1000, s1;
	[sflag:s4] =	ssyncadd.s32 @!p0 $0xFFFFC000  }
0xac: {  	[tilespmem:s0], [sflag:$0x4] =	stream.indirect.gather @!p0 [hbm4b:s3+s8], $0x20, s1, s8, $0xb8;
	[tilespmem:$0x1A400] =	vst v63  }
0xad: {  	_ =	swait.ge [sflag:s19], $0x4000  }
0xae: {  	[sflag:s19] =	ssyncset.done $0x0  }
0xaf: {  	s30 =	simm.s32 $0x6;
	[sflag:s19] =	ssyncadd.s32 $0xFFFFC000  }
0xb0: {  	[hbm4b:s26+s2] =	stream.linear.scatter [tilespmem:s16], [sflag:$0xA], $0x4000, $0x38;
	[tilespmem:$0x1A400] =	vst v63  }
0xb1: {  	_ =	swait.ge [sflag:s30], $0x4000  }
0xb2: {  	[sflag:s30] =	ssyncset.done $0x0  }
0xb3: {  	[sflag:s30] =	ssyncadd.s32 $0xFFFFC000  }
0xb4: {  	_ =	swait.ge [sflag:s21], $0x4000  }
0xb5: {  	[sflag:s21] =	ssyncset.done $0x0  }
0xb6: {  	[sflag:s21] =	ssyncadd.s32 $0xFFFFC000  }
0xb7: {  	_ =	swait.ge [sflag:s22], $0x4000  }
0xb8: {  	[sflag:s22] =	ssyncset.done $0x0  }
0xb9: {  	[sflag:s22] =	ssyncadd.s32 $0xFFFFC000  }
0xba: {  	_ =	swait.ge [sflag:s23], $0x4000  }
0xbb: {  	[sflag:s23] =	ssyncset.done $0x0  }
0xbc: {  	[sflag:s23] =	ssyncadd.s32 $0xFFFFC000  }
0xbd: {  	_ =	swait.ge [sflag:s24], $0x4000  }
0xbe: {  	s25 =	sadd.s32 $0x1, s25;
	s31 =	rddreg [dreg:$0x6]  }
0xbf: {  	p0 =	sne.s32 s25, s31  }
.Ltmp1:
0xc0: {  	_ = 	snop;
	(pc) =	sbr.rel @p0 .LBB2_1-.Ltmp1, $3  }
0xc1: {  	_ =	sdelay $0x1  }
0xc2: {  	[sflag:s24] =	ssyncset.done $0x0  }
0xc3: {  	[sflag:s24] =	ssyncadd.s32 $0xFFFFC000  }
0xc4: {  	_ =	sfence.sel $0x180000  }
0xc5: {  	[bflag:$0x0] =	sbarrier.arrive $0xFFFF  }
0xc6: {  	_ =	strace $0x90000047  }
0xc7: {  	s0 =	stileid.u32;
	[bflag:$0x2] =	sbarrier.arrive $0xFFFF  }
0xc8: {  	p0 =	sne.s32 s0, $0x0;
	s0 =	rddreg [dreg:$0x2]  }
0xc9: {  	s0 =	sadd.s32 @!p0 $0x100000, s0  }
0xca: {  	[sflag:s0] =	ssyncadd.tile.s32 @!p0 $0x1;
	_ =	shalt  }
.Lfunc_end2:
_tile_overlayer_lowered:
.L_overlay_start_2:
0xcb: {  	(tag) =	ssettag $0x2  }
0xcc: {  	s0 =	rddreg [dreg:$0x0];
	s2 =	stileid.u32  }
0xcd: {  	s1 =	rddreg [dreg:$0x1];
	p0 =	sne.s32 s2, $0x0  }
0xce: {  	s3 =	rddreg [dreg:$0x2];
	[bflag:$0x3] =	sbarrier.arrive $0xFFFF;
	s2 =	simm.s32 @!p0 $0x1C0B  }
0xcf: {  	[timem:s3], [sflag:s2] =	dma.local @!p0 [hbm:s0], s1  }
0xd0: {  	s0 =	simm.s32 @!p0 $0xB  }
0xd1: {  	_ =	swait.ge @!p0 [sflag:s0], s1  }
0xd2: {  	s1 =	ssub.s32 @!p0 $0x0, s1;
	[sflag:s0] =	ssyncset.done @!p0 $0x0  }
0xd3: {  	[sflag:s0] =	ssyncadd.s32 @!p0 s1  }
0xd4: {  	[bflag:$0x3] =	sbarrier.arrive $0xFFFF  }
0xd5: {  	_ =	shalt  }

// kernel: sparse-core-data-format-call.cloned.1.call-start
scs
called_computation_lowered:
.L_overlay_start_0:
0x0: {  	s2 =	sld [smem:$0x3FD9]  }
0x1: {  	s3 =	sld [smem:$0x3FFE];
	_ =	sdelay $0x1  }
0x2: {  	s1 =	srdreg.scid  }
0x3: {  	s0 =	sand.u32 $0x1, s1  }
0x4: {  	s18 =	sshll.u32 s0, $0xA;
	s2 =	sadd.s32 s3, s2  }
0x5: {  	s2 =	sadd.s32 s2, s18  }
0x6: {  	[smem:$0x3FC6] =	sst s2  }
0x7: {  	_ = 	snop  }
0x8: {  	s2 =	sld [smem:$0x3FD0];
	(tm) =	ssettm $0x1  }
0x9: {  	s19 =	sld [smem:$0x3FFB];
	_ =	sdelay $0x3  }
0xa: {  	_ =	strace s19  }
0xb: {  	s3 =	sld [smem:$0x3FFC];
	_ =	sdelay $0x3  }
0xc: {  	_ =	strace s3  }
0xd: {  	s3 =	sld [smem:$0x3FFD];
	_ =	sdelay $0x3  }
0xe: {  	_ =	strace s3  }
0xf: {  	_ =	strace $0x8FFFFFFF  }
0x10: {  	s20 =	sld [smem:$0x3FDB];
	_ =	sdelay $0x1  }
0x11: {  	s4 =	simm.s32 $_scs_section_size  }
0x12: {  	s5 =	simm.s32 $_size__tile_overlayer_lowered;
	s6 =	simm.s32 $_tile_overlayer_lowered  }
0x13: {  	s23 =	simm.s32 $0x1BFF;
	s22 =	sshll.u32 s6, $0x1;
	s3 =	sadd.s32 s4, s20  }
0x14: {  	s7 =	simm.s32 $0x0;
	s21 =	sshll.u32 s5, $0x1;
	s5 =	sadd.s32 s22, s3  }
0x15: {  	[timem:s7], [sflag:s23] =	dma.local [hbm:s5], s21  }
0x16: {  	_ =	swait.ge [sflag:s23], s21  }
0x17: {  	s4 =	ssub.s32 $0x0, s21;
	[sflag:s23] =	ssyncset.done $0x0  }
0x18: {  	[sflag:s23] =	ssyncadd.s32 s4;
	_ =	sdelay $0x1  }
0x19: {  	s24 =	simm.s32 $0x1B8B  }
0x1a: {  	_ =	swait.ge [sflag:s24], $0x1  }
0x1b: {  	[sflag:s24] =	ssyncset.done $0x0  }
0x1c: {  	s26 =	simm.s32 $0x1B8E;
	s25 =	sld [smem:$0x3FFE];
	[sflag:s24] =	ssyncadd.s32 $0xFFFFFFFF  }
0x1d: {  	s27 =	simm.s32 $execute0_lowered;
	[smem:$0x3FD2] =	sst s26  }
0x1e: {  	s5 =	sshll.u32 s27, $0x1;
	_ =	strace $0x80000049;
	[dreg:$0x1] =	wrdreg $0xFFFFFFFF  }
0x1f: {  	s28 =	simm.s32 $_size_execute0_lowered;
	s3 =	sadd.s32 s3, s5;
	[dreg:$0x0] =	wrdreg $0x0  }
0x20: {  	s5 =	sshll.u32 s28, $0x1;
	[dreg:$0x2] =	wrdreg s3  }
0x21: {  	[dreg:$0x3] =	wrdreg s5  }
0x22: {  	[dreg:$0x4] =	wrdreg $0xC0  }
0x23: {  	_ =	task [dreg:s7], $0x5FFFF  }
0x24: {  	[dreg:$0x1] =	wrdreg $0xFFFFFFFF  }
0x25: {  	[dreg:$0x0] =	wrdreg $0x60  }
0x26: {  	[dreg:$0x2] =	wrdreg s25  }
0x27: {  	[dreg:$0x3] =	wrdreg s2  }
0x28: {  	[dreg:$0x4] =	wrdreg $0x9  }
0x29: {  	_ =	task.clear_ibuf [dreg:s7], $0x5FFFF;
	_ =	strace $0x90000049  }
0x2a: {  	s29 =	simm.s32 $0x9;
	_ =	strace $0x8000004B  }
0x2b: {  	_ =	swait.ge [sflag:s29], $0x1  }
0x2c: {  	[sflag:s29] =	ssyncadd.s32 $0xFFFFFFFF  }
0x2d: {  	_ =	strace $0x9000004B  }
0x2e: {  	_ =	sfence  }
0x2f: {  	s30 =	sld [smem:$0x0];
	_ =	sdelay $0x2  }
0x30: {  	s31 =	sshll.u32 s1, $0xD;
	s1 =	sshrl.u32 s1, $0x2  }
0x31: {  	s3 =	sand.u32 $0x4000, s31;
	s1 =	sadd.s32 s1, s30  }
0x32: {  	s0 =	sor.u32 s3, s0;
	s1 =	sshll.u32 s1, $0x11  }
0x33: {  	s0 =	sor.u32 s1, s0  }
0x34: {  	s0 =	sadd.s32 $0x8F2B, s0  }
0x35: {  	[sflag:s0] =	ssyncadd.remote.s32 $0x1  }
0x36: {  	_ =	sfence.sel $0xFFFF  }
0x37: {  	[dreg:$0x0] =	wrdreg $0xFFFFFFFF;
	(pc) =	sbr.abs _section_cstart, $3  }
0x38: {  	[dreg:$0x1] =	wrdreg $0xFFFFFFFF  }
0x39: {  	_ =	task.clear_ibuf [dreg:s7], $0x2FFFF;
	_ =	strace $0x9FFFFFFF  }
0x3a: {  	(tm) =	ssettm $0x7FFFFFFF  }
0x3b: {  	_ =	shalt  }
tec
execute0_lowered:
.L_overlay_start_1:
0x0: {  	(tag) =	ssettag $0x1  }
0x1: {  	s0 =	srdreg.scid  }
0x2: {  	s1 =	sshll.u32 s0, $0x4  }
0x3: {  	s0 =	stileid.u32;
	s1 =	sand.u32 $0x10, s1  }
0x4: {  	s7 =	rddreg [dreg:$0x0];
	s1 =	sor.u32 s0, s1  }
0x5: {  	s4 =	simm.s32 $0x1;
	s8 =	simm.s32 $0x2;
	s2 =	sshll.u32 s1, $0x7  }
0x6: {  	s13 =	simm.s32 $0x0;
	s9 =	simm.s32 $0x20000;
	s1 =	ssub.s32 $0x4000, s2  }
0x7: {  	s14 =	simm.s32 $0x0;
	s11 =	simm.s32 $0x0;
	s3 =	sand.u32 $0xF80, s1  }
0x8: {  	s12 =	simm.s32 $0x0;
	s5 =	sshrl.u32 s1, $0xC;
	p0 =	sne.s32 s3, $0x0  }
.Ltmp0:
0x9: {  	s1 =	rddreg [dreg:$0x2];
	s4 =	simm.s32 @!p0 $0x0;
	(pc) =	sbr.rel .LBB1_1-.Ltmp0, $4  }
0xa: {  	s6 =	sadd.s32 $0xA00, s7;
	s3 =	rddreg [dreg:$0x1];
	s5 =	sadd.s32 s4, s5  }
0xb: {  	_ =	strace $0x8000004A;
	s4 =	simm.s32 $0x1;
	s5 =	smul.u32 $0x19, s5  }
0xc: {  	s7 =	sadd.s32 $0x40A00, s7;
	s10 =	smov.u32 s2;
	[sflag:s4] =	ssyncpa.u1 $0x0  }
0xd: {  	p0 =	por $0x0, $0x0;
	[sflag:s8] =	ssyncpa.u1 $0x0;
	s8 =	sadd.s32 $0x1, s5  }
.LBB1_7:
0xe: {  	s15 =	sadd.s32 $0x1000, s10  }
0xf: {  	s13 =	sadd.s32 $0x2, s11;
	s17 =	smov.u32 s11;
	p2 =	sgt.s32 s15, $0x3FFF  }
0x10: {  	s17 =	smov.u32 @p2 s13  }
0x11: {  	s15 =	smov.u32 @p2 s2;
	p2 =	sgt.s32 s17, $0x31  }
0x12: {  	s17 =	simm.s32 @p2 $0x0;
	p2 =	sne.s32 s12, s8  }
.Ltmp1:
0x13: {  	p1 =	slt.u32 s12, $0x2;
	(pc) =	sbr.rel @!p2 .LBB1_8-.Ltmp1, $4  }
0x14: {  	s16 =	simm.s32 @!p1 $0x2  }
0x15: {  	s14 =	smov.u32 s11;
	p0 =	por !p0, !p0;
	_ =	swait.ge @!p1 [sflag:s16], $0x2000  }
0x16: {  	s13 =	smov.u32 s10;
	[sflag:s16] =	ssyncset.done @!p1 $0x0;
	s10 =	smov.u32 s15  }
0x17: {  	s12 =	sadd.s32 $0x1, s12;
	[sflag:s16] =	ssyncadd.s32 @!p1 $0xFFFFE000;
	s11 =	smov.u32 s17  }
.LBB1_1:
0x18: {  	p1 =	sge.u32 s12, s5  }
0x19: {  	s15 =	sxor.u32 @!p1 $0xFFFFFFFF, s12;
	s16 =	sshll.u32 @!p1 s11, $0x12  }
0x1a: {  	s17 =	sshll.u32 @!p1 s10, $0x4;
	s19 =	simm.s32 @!p1 $0x20;
	s20 =	simm.s32 @!p1 $0x80  }
0x1b: {  	s15 =	sshll.u32 @!p1 s15, $0xD;
	s17 =	sand.u32 @!p1 $0x3FFF0, s17;
	s18 =	sadd.s32 @!p1 s6, s16  }
0x1c: {  	s16 =	sadd.s32 @!p1 s16, s7;
	s15 =	sand.u32 @!p1 $0x2000, s15;
	s18 =	sadd.s32 @!p1 s17, s18  }
0x1d: {  	[tilespmem:s15], [sflag:$0x1] =	stream.strided.gather @!p1 [hbm4b:s18+s19], $0x1000, s20, s19, $0x38;
	[tilespmem:$0x8080] =	vst v63  }
0x1e: {  	s31 =	sadd.s32 $0xFFFFFFFF, s12;
	s16 =	sadd.s32 @!p1 s17, s16;
	s15 =	sor.u32 @!p1 $0x1000, s15  }
0x1f: {  	[tilespmem:s15], [sflag:$0x1] =	stream.strided.gather @!p1 [hbm4b:s16+s19], $0x1000, s20, s19, $0x38;
	[tilespmem:$0x8080] =	vst v63  }
0x20: {  	p1 =	sge.u32 s31, s5  }
.Ltmp2:
0x21: {  	_ = 	snop;
	(pc) =	sbr.rel @p1 .LBB1_7-.Ltmp2, $1  }
0x22: {  	_ =	sdelay $0x3  }
0x23: {  	s15 =	simm.s32 $0x1;
	s17 =	sand.u32 $0x1, s12  }
0x24: {  	_ =	swait.ge [sflag:s4], $0x2000;
	s15 =	simm.s32 @!p0 $0x0;
	s17 =	smul.u32 $0x8100, s17  }
0x25: {  	p2 =	por $0x1, $0x1;
	[sflag:s4] =	ssyncset.done $0x0;
	s16 =	smul.u32 $0x8100, s15  }
0x26: {  	s18 =	sshll.u32 s15, $0xF;
	[sflag:s4] =	ssyncadd.s32 $0xFFFFE000;
	s30 =	sshrl.u32 s17, $0x2  }
0x27: {  	s31 =	sshrl.u32 s18, $0x2;
	s18 =	simm.s32 $0x0;
	s16 =	sshrl.u32 s16, $0x2  }
0x28: {  	s15 =	sor.u32 $0x4000, s30;
	s17 =	sadd.s32 $0x10, s31;
	s16 =	sor.u32 $0x4000, s16  }
.LBB1_3:
0x29: {  	s19 =	sshll.u32 s18, $0xC  }
0x2a: {  	s19 =	sand.u32 $0x3FFFF000, s19  }
0x2b: {  	s20 =	sadd.s32 s19, s17  }
0x2c: {  	s31 =	smul.u32 $0x4080, s18;
	v1 =	vld [tilespmem:s20+$0x0]  }
0x2d: {  	v0 =	vld [tilespmem:s20+$0xFFFFFFF0]  }
0x2e: {  	s18 =	sshra.s32 s31, $0x2  }
0x2f: {  	s18 =	sadd.s32 s18, s16  }
0x30: {  	s21 =	sadd.s32 $0x0, s18  }
0x31: {  	p1 =	por p2, p2;
	s19 =	simm.s32 $0x4;
	s20 =	sadd.s32 $0x20, s20;
	[tilespmem:s21+$0x810 ss:$0x81] =	vst.msk $0xffff, v1  }
.LBB1_4:
0x32: {  	v1 =	vld [tilespmem:s20+$0x0];
	p2 =	sne.s32 s19, $0x1FC;
	[tilespmem:s21+$0x0 ss:$0x81] =	vst.msk $0xffff, v0;
	s21 =	smov.u32 s19;
	s19 =	sadd.s32 $0x4, s19  }
.Ltmp3:
0x33: {  	v0 =	vld [tilespmem:s20+$0xFFFFFFF0];
	(pc) =	sbr.rel @p2 .LBB1_4-.Ltmp3, $4  }
0x34: {  	_ = 	snop  }
0x35: {  	s21 =	sshra.s32 s21, $0x2  }
0x36: {  	s21 =	sadd.s32 s21, s18  }
0x37: {  	s20 =	sadd.s32 $0x20, s20;
	[tilespmem:s21+$0x810 ss:$0x81] =	vst.msk $0xffff, v1  }
.Ltmp4:
0x38: {  	(pc) =	sbr.rel @p1 .LBB1_3-.Ltmp4, $2  }
0x39: {  	_ =	sdelay $0x2  }
0x3a: {  	[tilespmem:s21+$0x0 ss:$0x81] =	vst.msk $0xffff, v0;
	s18 =	simm.s32 $0x1;
	p2 =	por $0x0, $0x0  }
0x3b: {  	s16 =	sshll.u32 s13, $0x3;
	s17 =	sand.u32 $0x78, s13;
	s14 =	sshll.u32 s14, $0x10  }
.Ltmp5:
0x3c: {  	s30 =	sand.u32 $0xF800, s13;
	s16 =	sand.u32 $0x3C00, s16;
	(pc) =	sbr.rel .LBB1_7-.Ltmp5, $4  }
0x3d: {  	s31 =	sand.u32 $0x7, s13;
	s14 =	sadd.s32 s3, s14;
	s16 =	sor.u32 s17, s16  }
0x3e: {  	s13 =	sshll.u32 s31, $0x12;
	s14 =	sadd.s32 s30, s14;
	s16 =	sshrl.u32 s16, $0x3  }
0x3f: {  	s13 =	sor.u32 $0x400, s13;
	s14 =	sadd.s32 s16, s14  }
0x40: {  	[hbm4b:s14+s13] =	stream.strided.scatter [tilespmem:s15], [sflag:$0x2], $0x2000, s9, s13, $0x20;
	[tilespmem:$0x8080] =	vst v63  }
.LBB1_8:
0x41: {  	_ =	sfence.sel $0x180000  }
0x42: {  	s2 =	simm.s32 $0x1;
	[bflag:$0x0] =	sbarrier.arrive $0xFFFF  }
0x43: {  	s31 =	simm.s32 $0x2;
	[sflag:s2] =	ssyncpa.u1 $0x1  }
0x44: {  	[sflag:s31] =	ssyncpa.u1 $0x1  }
0x45: {  	p0 =	sne.s32 s0, $0x0;
	_ =	strace $0x9000004A  }
0x46: {  	s0 =	sadd.s32 @!p0 $0x100000, s1;
	[bflag:$0x2] =	sbarrier.arrive $0xFFFF  }
0x47: {  	[sflag:s0] =	ssyncadd.tile.s32 @!p0 $0x1;
	_ =	shalt  }
.Lfunc_end1:
_tile_overlayer_lowered:
.L_overlay_start_2:
0x48: {  	(tag) =	ssettag $0x2  }
0x49: {  	s0 =	rddreg [dreg:$0x0];
	s2 =	stileid.u32  }
0x4a: {  	s1 =	rddreg [dreg:$0x1];
	p0 =	sne.s32 s2, $0x0  }
0x4b: {  	s3 =	rddreg [dreg:$0x2];
	[bflag:$0x3] =	sbarrier.arrive $0xFFFF;
	s2 =	simm.s32 @!p0 $0x1C01  }
0x4c: {  	[timem:s3], [sflag:s2] =	dma.local @!p0 [hbm:s0], s1  }
0x4d: {  	s0 =	simm.s32 @!p0 $0x1  }
0x4e: {  	_ =	swait.ge @!p0 [sflag:s0], s1  }
0x4f: {  	s1 =	ssub.s32 @!p0 $0x0, s1;
	[sflag:s0] =	ssyncset.done @!p0 $0x0  }
0x50: {  	[sflag:s0] =	ssyncadd.s32 @!p0 s1  }
0x51: {  	[bflag:$0x3] =	sbarrier.arrive $0xFFFF  }
0x52: {  	_ =	shalt  }

</sc_bundles>
